<compile_context>
chip_gen: v7x
topology: tpu7x:2x2x1
jax: 0.10.2.dev20260603
libtpu: 0.0.44.dev20260713+nightly
codegen_flags: <defaults>
</compile_context>

<pallas_src>
import functools

import jax
import jax.numpy as jnp
from jax import lax
from jax.experimental import pallas as pl
from jax.experimental.pallas import tpu as pltpu
from jax.experimental.pallas import tpu_sc as plsc

D = 64
CH = 128
NB = 5
GR = NB * CH
NC = 2
NS = 16
NW = NC * NS


@functools.partial(jax.jit, static_argnums=(2,))
def _gather(idx3, table, n_rows):
    n_per_w = n_rows // NW
    n_chunks = n_per_w // CH
    n_groups = n_chunks // NB
    n_pairs = n_groups // 2

    @functools.partial(
        pl.kernel,
        out_type=jax.ShapeDtypeStruct((n_rows, D), jnp.float32),
        mesh=plsc.VectorSubcoreMesh(core_axis_name="c", subcore_axis_name="s"),
        compiler_params=pltpu.CompilerParams(use_tc_tiling_on_sc=False),
        scratch_types=[
            pltpu.VMEM((n_chunks, CH), jnp.int32),
            pltpu.VMEM((GR, D), jnp.float32),
            pltpu.VMEM((GR, D), jnp.float32),
            pltpu.SemaphoreType.DMA,
            pltpu.SemaphoreType.DMA,
            pltpu.SemaphoreType.DMA,
            pltpu.SemaphoreType.DMA,
        ],
    )
    def k(idx_hbm, table_hbm, out_hbm, idx_v, buf_a, buf_b,
          gsem_a, gsem_b, ssem_a, ssem_b):
        wid = lax.axis_index("s") * NC + lax.axis_index("c")
        base = wid * n_per_w

        pltpu.sync_copy(idx_hbm.at[wid], idx_v)

        def fire_gathers(g, buf, sem):
            for b in range(NB):
                pltpu.async_copy(
                    table_hbm.at[idx_v.at[g * NB + b]],
                    buf.at[pl.ds(b * CH, CH)],
                    sem,
                )

        def drain_gathers(buf, sem):
            pltpu.make_async_copy(
                out_hbm.at[pl.ds(0, GR)], buf, sem
            ).wait()

        def fire_store(g, buf, sem):
            pltpu.async_copy(
                buf, out_hbm.at[pl.ds(base + g * GR, GR)], sem
            )

        def drain_store(buf, sem):
            pltpu.make_async_copy(
                buf, out_hbm.at[pl.ds(base, GR)], sem
            ).wait()

        fire_gathers(0, buf_a, gsem_a)

        @pl.loop(0, n_pairs)
        def pair(p):
            g0 = p * 2

            @pl.when(p > 0)
            def _():
                drain_store(buf_b, ssem_b)
            fire_gathers(g0 + 1, buf_b, gsem_b)
            drain_gathers(buf_a, gsem_a)
            fire_store(g0, buf_a, ssem_a)
            drain_gathers(buf_b, gsem_b)
            drain_store(buf_a, ssem_a)

            @pl.when(p < n_pairs - 1)
            def _():
                fire_gathers(g0 + 2, buf_a, gsem_a)
            fire_store(g0 + 1, buf_b, ssem_b)

        drain_store(buf_b, ssem_b)

    return k(idx3, table)


def kernel(inputs, wte):
    n_rows = inputs.shape[0] * inputs.shape[1]
    idx3 = inputs.reshape(NW, n_rows // (NW * CH), CH)
    out = _gather(idx3, wte, n_rows)
    return out.reshape(inputs.shape[0], inputs.shape[1], D)

# --- scband reference (transcript-rebuilt; emitter-appended) ---
"""Pipeline reference for scband-gpt-33303176413552 (READ-ONLY COPY).

The authoritative reference and input builder live on the scoring server;
editing this copy changes nothing except your own understanding.
"""

import jax, jax.numpy as jnp
import numpy as np

VOCAB = 1000000
D_MODEL = 64
B = 1024
S = 200

def setup_inputs(seed: int = 0) -> dict:
    key = jax.random.key(seed)
    k1, k2 = jax.random.split(key)
    inputs = jax.random.randint(k1, (B, S), 0, VOCAB, dtype=jnp.int64 if jax.config.jax_enable_x64 else jnp.int32)
    wte = jax.random.normal(k2, (VOCAB, D_MODEL), dtype=jnp.float32) * 0.02
    return {"inputs": inputs, "wte": wte}

def reference(inputs, wte):
    # GPT.forward with targets=None: logits = self.wte(inputs); loss = None
    logits = jnp.take(wte, inputs, axis=0)
    return logits

if __name__ == "__main__":
    import jax
    _d = setup_inputs()
    print(jax.jit(kernel)(*tuple(_d.values())))

</pallas_src>

<mosaic_0001>
#map = affine_map<(d0, d1) -> (0, 0, 0)>
#map1 = affine_map<(d0, d1) -> (0, 0)>
module attributes {stable_mosaic.version = 14 : i64} {
  func.func @k(%arg0: i32, %arg1: i32, %arg2: memref<32x50x128xi32, #tpu.memory_space<hbm>>, %arg3: memref<1000000x64xf32, #tpu.memory_space<hbm>>, %arg4: memref<204800x64xf32, #tpu.memory_space<hbm>>, %arg5: memref<50x128xi32, #tpu.memory_space<vmem>>, %arg6: memref<640x64xf32, #tpu.memory_space<vmem>>, %arg7: memref<640x64xf32, #tpu.memory_space<vmem>>, %arg8: memref<!tpu.dma_semaphore, #tpu.memory_space<semaphore_mem>>, %arg9: memref<!tpu.dma_semaphore, #tpu.memory_space<semaphore_mem>>, %arg10: memref<!tpu.dma_semaphore, #tpu.memory_space<semaphore_mem>>, %arg11: memref<!tpu.dma_semaphore, #tpu.memory_space<semaphore_mem>>) attributes {dimension_semantics = [#tpu.dimension_semantics<core_parallel>, #tpu.dimension_semantics<subcore_parallel>], iteration_bounds = array<i64: 2, 16>, scalar_prefetch = 0 : i64, scratch_operands = 7 : i64, tpu.core_type = #tpu.core_type<sc_vector_subcore>, window_params = [{transform_indices = #map}, {transform_indices = #map1}, {transform_indices = #map1}]} {
    %mul3A = arith.constant 2 : i32
    %mul3A_0 = arith.muli %arg1, %mul3A : i32
    %add3A = arith.addi %mul3A_0, %arg0 : i32
    %mul3A_1 = arith.constant 6400 : i32
    %mul3A_2 = arith.muli %add3A, %mul3A_1 : i32
    "tpu.region"() ({
      %run_scoped3A = tpu.sem_alloc : memref<!tpu.dma_semaphore, #tpu.memory_space<semaphore_mem>>
      %dma_start3A_59 = arith.constant 0 : i32
      %dma_start3A_60 = arith.constant 0 : i32
      %dma_start3A_61 = tpu.memref_slice %arg2[%add3A, %dma_start3A_59, %dma_start3A_60] : memref<32x50x128xi32, #tpu.memory_space<hbm>> -> memref<1x50x128xi32, #tpu.memory_space<hbm>>
      %dma_start3A_62 = tpu.memref_squeeze %dma_start3A_61 : memref<1x50x128xi32, #tpu.memory_space<hbm>> -> memref<50x128xi32, #tpu.memory_space<hbm>>
      %dma_start3A_63 = arith.constant 0 : i32
      %dma_start3A_64 = arith.constant 0 : i32
      %dma_start3A_65 = tpu.memref_slice %arg2[%add3A, %dma_start3A_63, %dma_start3A_64] : memref<32x50x128xi32, #tpu.memory_space<hbm>> -> memref<1x50x128xi32, #tpu.memory_space<hbm>>
      %dma_start3A_66 = tpu.memref_squeeze %dma_start3A_65 : memref<1x50x128xi32, #tpu.memory_space<hbm>> -> memref<50x128xi32, #tpu.memory_space<hbm>>
      tpu.enqueue_dma source(%dma_start3A_66 : memref<50x128xi32, #tpu.memory_space<hbm>>) target(%arg5 : memref<50x128xi32, #tpu.memory_space<vmem>>) target_semaphore(%run_scoped3A : memref<!tpu.dma_semaphore, #tpu.memory_space<semaphore_mem>>)
      %dma_wait3A_67 = arith.constant 0 : i32
      %dma_wait3A_68 = arith.constant 0 : i32
      %dma_wait3A_69 = tpu.memref_slice %arg2[%add3A, %dma_wait3A_67, %dma_wait3A_68] : memref<32x50x128xi32, #tpu.memory_space<hbm>> -> memref<1x50x128xi32, #tpu.memory_space<hbm>>
      %dma_wait3A_70 = tpu.memref_squeeze %dma_wait3A_69 : memref<1x50x128xi32, #tpu.memory_space<hbm>> -> memref<50x128xi32, #tpu.memory_space<hbm>>
      %dma_wait3A_71 = arith.constant 0 : i32
      %dma_wait3A_72 = arith.constant 0 : i32
      %dma_wait3A_73 = tpu.memref_slice %arg2[%add3A, %dma_wait3A_71, %dma_wait3A_72] : memref<32x50x128xi32, #tpu.memory_space<hbm>> -> memref<1x50x128xi32, #tpu.memory_space<hbm>>
      %dma_wait3A_74 = tpu.memref_squeeze %dma_wait3A_73 : memref<1x50x128xi32, #tpu.memory_space<hbm>> -> memref<50x128xi32, #tpu.memory_space<hbm>>
      tpu.wait_dma2 semaphore(%run_scoped3A : memref<!tpu.dma_semaphore, #tpu.memory_space<semaphore_mem>>) src(%dma_wait3A_74 : memref<50x128xi32, #tpu.memory_space<hbm>>) dst(%arg5 : memref<50x128xi32, #tpu.memory_space<vmem>>)
      tpu.yield
    }) : () -> ()
    %dma_start3A = arith.constant 0 : i32
    %dma_start3A_3 = arith.constant 0 : i32
    %dma_start3A_4 = arith.constant 0 : i32
    %dma_start3A_5 = tpu.memref_slice %arg6[%dma_start3A_3, %dma_start3A_4] : memref<640x64xf32, #tpu.memory_space<vmem>> -> memref<128x64xf32, #tpu.memory_space<vmem>>
    %dma_start3A_6 = arith.constant 0 : i32
    %dma_start3A_7 = tpu.memref_slice %arg5[%dma_start3A, %dma_start3A_6] : memref<50x128xi32, #tpu.memory_space<vmem>> -> memref<1x128xi32, #tpu.memory_space<vmem>>
    %dma_start3A_8 = tpu.memref_squeeze %dma_start3A_7 : memref<1x128xi32, #tpu.memory_space<vmem>> -> memref<128xi32, #tpu.memory_space<vmem>>
    %dma_start3A_9 = arith.constant 0 : i32
    %dma_start3A_10 = arith.constant 0 : i32
    %dma_start3A_11 = tpu.memref_slice %arg3[%dma_start3A_9, %dma_start3A_10] : memref<1000000x64xf32, #tpu.memory_space<hbm>> -> memref<1000000x64xf32, #tpu.memory_space<hbm>>
    tpu.enqueue_indirect_dma source(%dma_start3A_11 : memref<1000000x64xf32, #tpu.memory_space<hbm>>) target(%dma_start3A_5 : memref<128x64xf32, #tpu.memory_space<vmem>>) offsets(%dma_start3A_8 : memref<128xi32, #tpu.memory_space<vmem>>) semaphore(%arg8 : memref<!tpu.dma_semaphore, #tpu.memory_space<semaphore_mem>>)
    %dma_start3A_12 = arith.constant 1 : i32
    %dma_start3A_13 = arith.constant 128 : i32
    %dma_start3A_14 = arith.constant 0 : i32
    %dma_start3A_15 = tpu.memref_slice %arg6[%dma_start3A_13, %dma_start3A_14] : memref<640x64xf32, #tpu.memory_space<vmem>> -> memref<128x64xf32, #tpu.memory_space<vmem>>
    %dma_start3A_16 = arith.constant 0 : i32
    %dma_start3A_17 = tpu.memref_slice %arg5[%dma_start3A_12, %dma_start3A_16] : memref<50x128xi32, #tpu.memory_space<vmem>> -> memref<1x128xi32, #tpu.memory_space<vmem>>
    %dma_start3A_18 = tpu.memref_squeeze %dma_start3A_17 : memref<1x128xi32, #tpu.memory_space<vmem>> -> memref<128xi32, #tpu.memory_space<vmem>>
    %dma_start3A_19 = arith.constant 0 : i32
    %dma_start3A_20 = arith.constant 0 : i32
    %dma_start3A_21 = tpu.memref_slice %arg3[%dma_start3A_19, %dma_start3A_20] : memref<1000000x64xf32, #tpu.memory_space<hbm>> -> memref<1000000x64xf32, #tpu.memory_space<hbm>>
    tpu.enqueue_indirect_dma source(%dma_start3A_21 : memref<1000000x64xf32, #tpu.memory_space<hbm>>) target(%dma_start3A_15 : memref<128x64xf32, #tpu.memory_space<vmem>>) offsets(%dma_start3A_18 : memref<128xi32, #tpu.memory_space<vmem>>) semaphore(%arg8 : memref<!tpu.dma_semaphore, #tpu.memory_space<semaphore_mem>>)
    %dma_start3A_22 = arith.constant 2 : i32
    %dma_start3A_23 = arith.constant 256 : i32
    %dma_start3A_24 = arith.constant 0 : i32
    %dma_start3A_25 = tpu.memref_slice %arg6[%dma_start3A_23, %dma_start3A_24] : memref<640x64xf32, #tpu.memory_space<vmem>> -> memref<128x64xf32, #tpu.memory_space<vmem>>
    %dma_start3A_26 = arith.constant 0 : i32
    %dma_start3A_27 = tpu.memref_slice %arg5[%dma_start3A_22, %dma_start3A_26] : memref<50x128xi32, #tpu.memory_space<vmem>> -> memref<1x128xi32, #tpu.memory_space<vmem>>
    %dma_start3A_28 = tpu.memref_squeeze %dma_start3A_27 : memref<1x128xi32, #tpu.memory_space<vmem>> -> memref<128xi32, #tpu.memory_space<vmem>>
    %dma_start3A_29 = arith.constant 0 : i32
    %dma_start3A_30 = arith.constant 0 : i32
    %dma_start3A_31 = tpu.memref_slice %arg3[%dma_start3A_29, %dma_start3A_30] : memref<1000000x64xf32, #tpu.memory_space<hbm>> -> memref<1000000x64xf32, #tpu.memory_space<hbm>>
    tpu.enqueue_indirect_dma source(%dma_start3A_31 : memref<1000000x64xf32, #tpu.memory_space<hbm>>) target(%dma_start3A_25 : memref<128x64xf32, #tpu.memory_space<vmem>>) offsets(%dma_start3A_28 : memref<128xi32, #tpu.memory_space<vmem>>) semaphore(%arg8 : memref<!tpu.dma_semaphore, #tpu.memory_space<semaphore_mem>>)
    %dma_start3A_32 = arith.constant 3 : i32
    %dma_start3A_33 = arith.constant 384 : i32
    %dma_start3A_34 = arith.constant 0 : i32
    %dma_start3A_35 = tpu.memref_slice %arg6[%dma_start3A_33, %dma_start3A_34] : memref<640x64xf32, #tpu.memory_space<vmem>> -> memref<128x64xf32, #tpu.memory_space<vmem>>
    %dma_start3A_36 = arith.constant 0 : i32
    %dma_start3A_37 = tpu.memref_slice %arg5[%dma_start3A_32, %dma_start3A_36] : memref<50x128xi32, #tpu.memory_space<vmem>> -> memref<1x128xi32, #tpu.memory_space<vmem>>
    %dma_start3A_38 = tpu.memref_squeeze %dma_start3A_37 : memref<1x128xi32, #tpu.memory_space<vmem>> -> memref<128xi32, #tpu.memory_space<vmem>>
    %dma_start3A_39 = arith.constant 0 : i32
    %dma_start3A_40 = arith.constant 0 : i32
    %dma_start3A_41 = tpu.memref_slice %arg3[%dma_start3A_39, %dma_start3A_40] : memref<1000000x64xf32, #tpu.memory_space<hbm>> -> memref<1000000x64xf32, #tpu.memory_space<hbm>>
    tpu.enqueue_indirect_dma source(%dma_start3A_41 : memref<1000000x64xf32, #tpu.memory_space<hbm>>) target(%dma_start3A_35 : memref<128x64xf32, #tpu.memory_space<vmem>>) offsets(%dma_start3A_38 : memref<128xi32, #tpu.memory_space<vmem>>) semaphore(%arg8 : memref<!tpu.dma_semaphore, #tpu.memory_space<semaphore_mem>>)
    %dma_start3A_42 = arith.constant 4 : i32
    %dma_start3A_43 = arith.constant 512 : i32
    %dma_start3A_44 = arith.constant 0 : i32
    %dma_start3A_45 = tpu.memref_slice %arg6[%dma_start3A_43, %dma_start3A_44] : memref<640x64xf32, #tpu.memory_space<vmem>> -> memref<128x64xf32, #tpu.memory_space<vmem>>
    %dma_start3A_46 = arith.constant 0 : i32
    %dma_start3A_47 = tpu.memref_slice %arg5[%dma_start3A_42, %dma_start3A_46] : memref<50x128xi32, #tpu.memory_space<vmem>> -> memref<1x128xi32, #tpu.memory_space<vmem>>
    %dma_start3A_48 = tpu.memref_squeeze %dma_start3A_47 : memref<1x128xi32, #tpu.memory_space<vmem>> -> memref<128xi32, #tpu.memory_space<vmem>>
    %dma_start3A_49 = arith.constant 0 : i32
    %dma_start3A_50 = arith.constant 0 : i32
    %dma_start3A_51 = tpu.memref_slice %arg3[%dma_start3A_49, %dma_start3A_50] : memref<1000000x64xf32, #tpu.memory_space<hbm>> -> memref<1000000x64xf32, #tpu.memory_space<hbm>>
    tpu.enqueue_indirect_dma source(%dma_start3A_51 : memref<1000000x64xf32, #tpu.memory_space<hbm>>) target(%dma_start3A_45 : memref<128x64xf32, #tpu.memory_space<vmem>>) offsets(%dma_start3A_48 : memref<128xi32, #tpu.memory_space<vmem>>) semaphore(%arg8 : memref<!tpu.dma_semaphore, #tpu.memory_space<semaphore_mem>>)
    %scan3A = arith.constant 0 : i32
    %scan3A_52 = arith.constant 5 : i32
    %scan3A_53 = arith.addi %scan3A, %scan3A_52 : i32
    %scan3A_54 = arith.constant 1 : i32
    scf.for %scan3A_59 = %scan3A to %scan3A_53 step %scan3A_54  : i32 {
      %mul3A_60 = arith.constant 1 : i32
      %mul3A_61 = arith.muli %scan3A_59, %mul3A_60 : i32
      %add3A_62 = arith.constant 0 : i32
      %add3A_63 = arith.addi %add3A_62, %mul3A_61 : i32
      %mul3A_64 = arith.constant 2 : i32
      %mul3A_65 = arith.muli %add3A_63, %mul3A_64 : i32
      %gt3A = arith.constant 0 : i32
      %gt3A_66 = arith.cmpi sgt, %add3A_63, %gt3A : i32
      %convert_element_type3A = arith.extui %gt3A_66 : i1 to i32
      %cond3A = arith.constant 0 : i32
      %cond3A_67 = arith.cmpi ne, %convert_element_type3A, %cond3A : i32
      scf.if %cond3A_67 {
        %dma_wait3A_171 = arith.constant 0 : i32
        %dma_wait3A_172 = tpu.memref_slice %arg4[%mul3A_2, %dma_wait3A_171] : memref<204800x64xf32, #tpu.memory_space<hbm>> -> memref<640x64xf32, #tpu.memory_space<hbm>>
        %dma_wait3A_173 = arith.constant 0 : i32
        %dma_wait3A_174 = tpu.memref_slice %arg4[%mul3A_2, %dma_wait3A_173] : memref<204800x64xf32, #tpu.memory_space<hbm>> -> memref<640x64xf32, #tpu.memory_space<hbm>>
        tpu.wait_dma2 semaphore(%arg11 : memref<!tpu.dma_semaphore, #tpu.memory_space<semaphore_mem>>) src(%arg7 : memref<640x64xf32, #tpu.memory_space<vmem>>) dst(%dma_wait3A_174 : memref<640x64xf32, #tpu.memory_space<hbm>>)
      } else {
      }
      %add3A_68 = arith.constant 1 : i32
      %add3A_69 = arith.addi %mul3A_65, %add3A_68 : i32
      %mul3A_70 = arith.constant 5 : i32
      %mul3A_71 = arith.muli %add3A_69, %mul3A_70 : i32
      %add3A_72 = arith.constant 0 : i32
      %add3A_73 = arith.addi %mul3A_71, %add3A_72 : i32
      %dma_start3A_74 = arith.constant 0 : i32
      %dma_start3A_75 = arith.constant 0 : i32
      %dma_start3A_76 = tpu.memref_slice %arg7[%dma_start3A_74, %dma_start3A_75] : memref<640x64xf32, #tpu.memory_space<vmem>> -> memref<128x64xf32, #tpu.memory_space<vmem>>
      %dma_start3A_77 = arith.constant 0 : i32
      %dma_start3A_78 = tpu.memref_slice %arg5[%add3A_73, %dma_start3A_77] : memref<50x128xi32, #tpu.memory_space<vmem>> -> memref<1x128xi32, #tpu.memory_space<vmem>>
      %dma_start3A_79 = tpu.memref_squeeze %dma_start3A_78 : memref<1x128xi32, #tpu.memory_space<vmem>> -> memref<128xi32, #tpu.memory_space<vmem>>
      %dma_start3A_80 = arith.constant 0 : i32
      %dma_start3A_81 = arith.constant 0 : i32
      %dma_start3A_82 = tpu.memref_slice %arg3[%dma_start3A_80, %dma_start3A_81] : memref<1000000x64xf32, #tpu.memory_space<hbm>> -> memref<1000000x64xf32, #tpu.memory_space<hbm>>
      tpu.enqueue_indirect_dma source(%dma_start3A_82 : memref<1000000x64xf32, #tpu.memory_space<hbm>>) target(%dma_start3A_76 : memref<128x64xf32, #tpu.memory_space<vmem>>) offsets(%dma_start3A_79 : memref<128xi32, #tpu.memory_space<vmem>>) semaphore(%arg9 : memref<!tpu.dma_semaphore, #tpu.memory_space<semaphore_mem>>)
      %mul3A_83 = arith.constant 5 : i32
      %mul3A_84 = arith.muli %add3A_69, %mul3A_83 : i32
      %add3A_85 = arith.constant 1 : i32
      %add3A_86 = arith.addi %mul3A_84, %add3A_85 : i32
      %dma_start3A_87 = arith.constant 128 : i32
      %dma_start3A_88 = arith.constant 0 : i32
      %dma_start3A_89 = tpu.memref_slice %arg7[%dma_start3A_87, %dma_start3A_88] : memref<640x64xf32, #tpu.memory_space<vmem>> -> memref<128x64xf32, #tpu.memory_space<vmem>>
      %dma_start3A_90 = arith.constant 0 : i32
      %dma_start3A_91 = tpu.memref_slice %arg5[%add3A_86, %dma_start3A_90] : memref<50x128xi32, #tpu.memory_space<vmem>> -> memref<1x128xi32, #tpu.memory_space<vmem>>
      %dma_start3A_92 = tpu.memref_squeeze %dma_start3A_91 : memref<1x128xi32, #tpu.memory_space<vmem>> -> memref<128xi32, #tpu.memory_space<vmem>>
      %dma_start3A_93 = arith.constant 0 : i32
      %dma_start3A_94 = arith.constant 0 : i32
      %dma_start3A_95 = tpu.memref_slice %arg3[%dma_start3A_93, %dma_start3A_94] : memref<1000000x64xf32, #tpu.memory_space<hbm>> -> memref<1000000x64xf32, #tpu.memory_space<hbm>>
      tpu.enqueue_indirect_dma source(%dma_start3A_95 : memref<1000000x64xf32, #tpu.memory_space<hbm>>) target(%dma_start3A_89 : memref<128x64xf32, #tpu.memory_space<vmem>>) offsets(%dma_start3A_92 : memref<128xi32, #tpu.memory_space<vmem>>) semaphore(%arg9 : memref<!tpu.dma_semaphore, #tpu.memory_space<semaphore_mem>>)
      %mul3A_96 = arith.constant 5 : i32
      %mul3A_97 = arith.muli %add3A_69, %mul3A_96 : i32
      %add3A_98 = arith.constant 2 : i32
      %add3A_99 = arith.addi %mul3A_97, %add3A_98 : i32
      %dma_start3A_100 = arith.constant 256 : i32
      %dma_start3A_101 = arith.constant 0 : i32
      %dma_start3A_102 = tpu.memref_slice %arg7[%dma_start3A_100, %dma_start3A_101] : memref<640x64xf32, #tpu.memory_space<vmem>> -> memref<128x64xf32, #tpu.memory_space<vmem>>
      %dma_start3A_103 = arith.constant 0 : i32
      %dma_start3A_104 = tpu.memref_slice %arg5[%add3A_99, %dma_start3A_103] : memref<50x128xi32, #tpu.memory_space<vmem>> -> memref<1x128xi32, #tpu.memory_space<vmem>>
      %dma_start3A_105 = tpu.memref_squeeze %dma_start3A_104 : memref<1x128xi32, #tpu.memory_space<vmem>> -> memref<128xi32, #tpu.memory_space<vmem>>
      %dma_start3A_106 = arith.constant 0 : i32
      %dma_start3A_107 = arith.constant 0 : i32
      %dma_start3A_108 = tpu.memref_slice %arg3[%dma_start3A_106, %dma_start3A_107] : memref<1000000x64xf32, #tpu.memory_space<hbm>> -> memref<1000000x64xf32, #tpu.memory_space<hbm>>
      tpu.enqueue_indirect_dma source(%dma_start3A_108 : memref<1000000x64xf32, #tpu.memory_space<hbm>>) target(%dma_start3A_102 : memref<128x64xf32, #tpu.memory_space<vmem>>) offsets(%dma_start3A_105 : memref<128xi32, #tpu.memory_space<vmem>>) semaphore(%arg9 : memref<!tpu.dma_semaphore, #tpu.memory_space<semaphore_mem>>)
      %mul3A_109 = arith.constant 5 : i32
      %mul3A_110 = arith.muli %add3A_69, %mul3A_109 : i32
      %add3A_111 = arith.constant 3 : i32
      %add3A_112 = arith.addi %mul3A_110, %add3A_111 : i32
      %dma_start3A_113 = arith.constant 384 : i32
      %dma_start3A_114 = arith.constant 0 : i32
      %dma_start3A_115 = tpu.memref_slice %arg7[%dma_start3A_113, %dma_start3A_114] : memref<640x64xf32, #tpu.memory_space<vmem>> -> memref<128x64xf32, #tpu.memory_space<vmem>>
      %dma_start3A_116 = arith.constant 0 : i32
      %dma_start3A_117 = tpu.memref_slice %arg5[%add3A_112, %dma_start3A_116] : memref<50x128xi32, #tpu.memory_space<vmem>> -> memref<1x128xi32, #tpu.memory_space<vmem>>
      %dma_start3A_118 = tpu.memref_squeeze %dma_start3A_117 : memref<1x128xi32, #tpu.memory_space<vmem>> -> memref<128xi32, #tpu.memory_space<vmem>>
      %dma_start3A_119 = arith.constant 0 : i32
      %dma_start3A_120 = arith.constant 0 : i32
      %dma_start3A_121 = tpu.memref_slice %arg3[%dma_start3A_119, %dma_start3A_120] : memref<1000000x64xf32, #tpu.memory_space<hbm>> -> memref<1000000x64xf32, #tpu.memory_space<hbm>>
      tpu.enqueue_indirect_dma source(%dma_start3A_121 : memref<1000000x64xf32, #tpu.memory_space<hbm>>) target(%dma_start3A_115 : memref<128x64xf32, #tpu.memory_space<vmem>>) offsets(%dma_start3A_118 : memref<128xi32, #tpu.memory_space<vmem>>) semaphore(%arg9 : memref<!tpu.dma_semaphore, #tpu.memory_space<semaphore_mem>>)
      %mul3A_122 = arith.constant 5 : i32
      %mul3A_123 = arith.muli %add3A_69, %mul3A_122 : i32
      %add3A_124 = arith.constant 4 : i32
      %add3A_125 = arith.addi %mul3A_123, %add3A_124 : i32
      %dma_start3A_126 = arith.constant 512 : i32
      %dma_start3A_127 = arith.constant 0 : i32
      %dma_start3A_128 = tpu.memref_slice %arg7[%dma_start3A_126, %dma_start3A_127] : memref<640x64xf32, #tpu.memory_space<vmem>> -> memref<128x64xf32, #tpu.memory_space<vmem>>
      %dma_start3A_129 = arith.constant 0 : i32
      %dma_start3A_130 = tpu.memref_slice %arg5[%add3A_125, %dma_start3A_129] : memref<50x128xi32, #tpu.memory_space<vmem>> -> memref<1x128xi32, #tpu.memory_space<vmem>>
      %dma_start3A_131 = tpu.memref_squeeze %dma_start3A_130 : memref<1x128xi32, #tpu.memory_space<vmem>> -> memref<128xi32, #tpu.memory_space<vmem>>
      %dma_start3A_132 = arith.constant 0 : i32
      %dma_start3A_133 = arith.constant 0 : i32
      %dma_start3A_134 = tpu.memref_slice %arg3[%dma_start3A_132, %dma_start3A_133] : memref<1000000x64xf32, #tpu.memory_space<hbm>> -> memref<1000000x64xf32, #tpu.memory_space<hbm>>
      tpu.enqueue_indirect_dma source(%dma_start3A_134 : memref<1000000x64xf32, #tpu.memory_space<hbm>>) target(%dma_start3A_128 : memref<128x64xf32, #tpu.memory_space<vmem>>) offsets(%dma_start3A_131 : memref<128xi32, #tpu.memory_space<vmem>>) semaphore(%arg9 : memref<!tpu.dma_semaphore, #tpu.memory_space<semaphore_mem>>)
      %dma_wait3A_135 = arith.constant 0 : i32
      %dma_wait3A_136 = arith.constant 0 : i32
      %dma_wait3A_137 = tpu.memref_slice %arg4[%dma_wait3A_135, %dma_wait3A_136] : memref<204800x64xf32, #tpu.memory_space<hbm>> -> memref<640x64xf32, #tpu.memory_space<hbm>>
      %dma_wait3A_138 = arith.constant 0 : i32
      %dma_wait3A_139 = arith.constant 0 : i32
      %dma_wait3A_140 = tpu.memref_slice %arg4[%dma_wait3A_138, %dma_wait3A_139] : memref<204800x64xf32, #tpu.memory_space<hbm>> -> memref<640x64xf32, #tpu.memory_space<hbm>>
      tpu.wait_dma2 semaphore(%arg8 : memref<!tpu.dma_semaphore, #tpu.memory_space<semaphore_mem>>) src(%dma_wait3A_140 : memref<640x64xf32, #tpu.memory_space<hbm>>) dst(%arg6 : memref<640x64xf32, #tpu.memory_space<vmem>>)
      %mul3A_141 = arith.constant 640 : i32
      %mul3A_142 = arith.muli %mul3A_65, %mul3A_141 : i32
      %add3A_143 = arith.addi %mul3A_2, %mul3A_142 : i32
      %dma_start3A_144 = arith.constant 0 : i32
      %dma_start3A_145 = tpu.memref_slice %arg4[%add3A_143, %dma_start3A_144] : memref<204800x64xf32, #tpu.memory_space<hbm>> -> memref<640x64xf32, #tpu.memory_space<hbm>>
      %dma_start3A_146 = arith.constant 0 : i32
      %dma_start3A_147 = tpu.memref_slice %arg4[%add3A_143, %dma_start3A_146] : memref<204800x64xf32, #tpu.memory_space<hbm>> -> memref<640x64xf32, #tpu.memory_space<hbm>>
      tpu.enqueue_dma source(%arg6 : memref<640x64xf32, #tpu.memory_space<vmem>>) target(%dma_start3A_147 : memref<640x64xf32, #tpu.memory_space<hbm>>) target_semaphore(%arg10 : memref<!tpu.dma_semaphore, #tpu.memory_space<semaphore_mem>>)
      %dma_wait3A_148 = arith.constant 0 : i32
      %dma_wait3A_149 = arith.constant 0 : i32
      %dma_wait3A_150 = tpu.memref_slice %arg4[%dma_wait3A_148, %dma_wait3A_149] : memref<204800x64xf32, #tpu.memory_space<hbm>> -> memref<640x64xf32, #tpu.memory_space<hbm>>
      %dma_wait3A_151 = arith.constant 0 : i32
      %dma_wait3A_152 = arith.constant 0 : i32
      %dma_wait3A_153 = tpu.memref_slice %arg4[%dma_wait3A_151, %dma_wait3A_152] : memref<204800x64xf32, #tpu.memory_space<hbm>> -> memref<640x64xf32, #tpu.memory_space<hbm>>
      tpu.wait_dma2 semaphore(%arg9 : memref<!tpu.dma_semaphore, #tpu.memory_space<semaphore_mem>>) src(%dma_wait3A_153 : memref<640x64xf32, #tpu.memory_space<hbm>>) dst(%arg7 : memref<640x64xf32, #tpu.memory_space<vmem>>)
      %dma_wait3A_154 = arith.constant 0 : i32
      %dma_wait3A_155 = tpu.memref_slice %arg4[%mul3A_2, %dma_wait3A_154] : memref<204800x64xf32, #tpu.memory_space<hbm>> -> memref<640x64xf32, #tpu.memory_space<hbm>>
      %dma_wait3A_156 = arith.constant 0 : i32
      %dma_wait3A_157 = tpu.memref_slice %arg4[%mul3A_2, %dma_wait3A_156] : memref<204800x64xf32, #tpu.memory_space<hbm>> -> memref<640x64xf32, #tpu.memory_space<hbm>>
      tpu.wait_dma2 semaphore(%arg10 : memref<!tpu.dma_semaphore, #tpu.memory_space<semaphore_mem>>) src(%arg6 : memref<640x64xf32, #tpu.memory_space<vmem>>) dst(%dma_wait3A_157 : memref<640x64xf32, #tpu.memory_space<hbm>>)
      %lt3A = arith.constant 4 : i32
      %lt3A_158 = arith.cmpi slt, %add3A_63, %lt3A : i32
      %convert_element_type3A_159 = arith.extui %lt3A_158 : i1 to i32
      %cond3A_160 = arith.constant 0 : i32
      %cond3A_161 = arith.cmpi ne, %convert_element_type3A_159, %cond3A_160 : i32
      scf.if %cond3A_161 {
        %add3A_171 = arith.constant 2 : i32
        %add3A_172 = arith.addi %mul3A_65, %add3A_171 : i32
        %mul3A_173 = arith.constant 5 : i32
        %mul3A_174 = arith.muli %add3A_172, %mul3A_173 : i32
        %add3A_175 = arith.constant 0 : i32
        %add3A_176 = arith.addi %mul3A_174, %add3A_175 : i32
        %dma_start3A_177 = arith.constant 0 : i32
        %dma_start3A_178 = arith.constant 0 : i32
        %dma_start3A_179 = tpu.memref_slice %arg6[%dma_start3A_177, %dma_start3A_178] : memref<640x64xf32, #tpu.memory_space<vmem>> -> memref<128x64xf32, #tpu.memory_space<vmem>>
        %dma_start3A_180 = arith.constant 0 : i32
        %dma_start3A_181 = tpu.memref_slice %arg5[%add3A_176, %dma_start3A_180] : memref<50x128xi32, #tpu.memory_space<vmem>> -> memref<1x128xi32, #tpu.memory_space<vmem>>
        %dma_start3A_182 = tpu.memref_squeeze %dma_start3A_181 : memref<1x128xi32, #tpu.memory_space<vmem>> -> memref<128xi32, #tpu.memory_space<vmem>>
        %dma_start3A_183 = arith.constant 0 : i32
        %dma_start3A_184 = arith.constant 0 : i32
        %dma_start3A_185 = tpu.memref_slice %arg3[%dma_start3A_183, %dma_start3A_184] : memref<1000000x64xf32, #tpu.memory_space<hbm>> -> memref<1000000x64xf32, #tpu.memory_space<hbm>>
        tpu.enqueue_indirect_dma source(%dma_start3A_185 : memref<1000000x64xf32, #tpu.memory_space<hbm>>) target(%dma_start3A_179 : memref<128x64xf32, #tpu.memory_space<vmem>>) offsets(%dma_start3A_182 : memref<128xi32, #tpu.memory_space<vmem>>) semaphore(%arg8 : memref<!tpu.dma_semaphore, #tpu.memory_space<semaphore_mem>>)
        %mul3A_186 = arith.constant 5 : i32
        %mul3A_187 = arith.muli %add3A_172, %mul3A_186 : i32
        %add3A_188 = arith.constant 1 : i32
        %add3A_189 = arith.addi %mul3A_187, %add3A_188 : i32
        %dma_start3A_190 = arith.constant 128 : i32
        %dma_start3A_191 = arith.constant 0 : i32
        %dma_start3A_192 = tpu.memref_slice %arg6[%dma_start3A_190, %dma_start3A_191] : memref<640x64xf32, #tpu.memory_space<vmem>> -> memref<128x64xf32, #tpu.memory_space<vmem>>
        %dma_start3A_193 = arith.constant 0 : i32
        %dma_start3A_194 = tpu.memref_slice %arg5[%add3A_189, %dma_start3A_193] : memref<50x128xi32, #tpu.memory_space<vmem>> -> memref<1x128xi32, #tpu.memory_space<vmem>>
        %dma_start3A_195 = tpu.memref_squeeze %dma_start3A_194 : memref<1x128xi32, #tpu.memory_space<vmem>> -> memref<128xi32, #tpu.memory_space<vmem>>
        %dma_start3A_196 = arith.constant 0 : i32
        %dma_start3A_197 = arith.constant 0 : i32
        %dma_start3A_198 = tpu.memref_slice %arg3[%dma_start3A_196, %dma_start3A_197] : memref<1000000x64xf32, #tpu.memory_space<hbm>> -> memref<1000000x64xf32, #tpu.memory_space<hbm>>
        tpu.enqueue_indirect_dma source(%dma_start3A_198 : memref<1000000x64xf32, #tpu.memory_space<hbm>>) target(%dma_start3A_192 : memref<128x64xf32, #tpu.memory_space<vmem>>) offsets(%dma_start3A_195 : memref<128xi32, #tpu.memory_space<vmem>>) semaphore(%arg8 : memref<!tpu.dma_semaphore, #tpu.memory_space<semaphore_mem>>)
        %mul3A_199 = arith.constant 5 : i32
        %mul3A_200 = arith.muli %add3A_172, %mul3A_199 : i32
        %add3A_201 = arith.constant 2 : i32
        %add3A_202 = arith.addi %mul3A_200, %add3A_201 : i32
        %dma_start3A_203 = arith.constant 256 : i32
        %dma_start3A_204 = arith.constant 0 : i32
        %dma_start3A_205 = tpu.memref_slice %arg6[%dma_start3A_203, %dma_start3A_204] : memref<640x64xf32, #tpu.memory_space<vmem>> -> memref<128x64xf32, #tpu.memory_space<vmem>>
        %dma_start3A_206 = arith.constant 0 : i32
        %dma_start3A_207 = tpu.memref_slice %arg5[%add3A_202, %dma_start3A_206] : memref<50x128xi32, #tpu.memory_space<vmem>> -> memref<1x128xi32, #tpu.memory_space<vmem>>
        %dma_start3A_208 = tpu.memref_squeeze %dma_start3A_207 : memref<1x128xi32, #tpu.memory_space<vmem>> -> memref<128xi32, #tpu.memory_space<vmem>>
        %dma_start3A_209 = arith.constant 0 : i32
        %dma_start3A_210 = arith.constant 0 : i32
        %dma_start3A_211 = tpu.memref_slice %arg3[%dma_start3A_209, %dma_start3A_210] : memref<1000000x64xf32, #tpu.memory_space<hbm>> -> memref<1000000x64xf32, #tpu.memory_space<hbm>>
        tpu.enqueue_indirect_dma source(%dma_start3A_211 : memref<1000000x64xf32, #tpu.memory_space<hbm>>) target(%dma_start3A_205 : memref<128x64xf32, #tpu.memory_space<vmem>>) offsets(%dma_start3A_208 : memref<128xi32, #tpu.memory_space<vmem>>) semaphore(%arg8 : memref<!tpu.dma_semaphore, #tpu.memory_space<semaphore_mem>>)
        %mul3A_212 = arith.constant 5 : i32
        %mul3A_213 = arith.muli %add3A_172, %mul3A_212 : i32
        %add3A_214 = arith.constant 3 : i32
        %add3A_215 = arith.addi %mul3A_213, %add3A_214 : i32
        %dma_start3A_216 = arith.constant 384 : i32
        %dma_start3A_217 = arith.constant 0 : i32
        %dma_start3A_218 = tpu.memref_slice %arg6[%dma_start3A_216, %dma_start3A_217] : memref<640x64xf32, #tpu.memory_space<vmem>> -> memref<128x64xf32, #tpu.memory_space<vmem>>
        %dma_start3A_219 = arith.constant 0 : i32
        %dma_start3A_220 = tpu.memref_slice %arg5[%add3A_215, %dma_start3A_219] : memref<50x128xi32, #tpu.memory_space<vmem>> -> memref<1x128xi32, #tpu.memory_space<vmem>>
        %dma_start3A_221 = tpu.memref_squeeze %dma_start3A_220 : memref<1x128xi32, #tpu.memory_space<vmem>> -> memref<128xi32, #tpu.memory_space<vmem>>
        %dma_start3A_222 = arith.constant 0 : i32
        %dma_start3A_223 = arith.constant 0 : i32
        %dma_start3A_224 = tpu.memref_slice %arg3[%dma_start3A_222, %dma_start3A_223] : memref<1000000x64xf32, #tpu.memory_space<hbm>> -> memref<1000000x64xf32, #tpu.memory_space<hbm>>
        tpu.enqueue_indirect_dma source(%dma_start3A_224 : memref<1000000x64xf32, #tpu.memory_space<hbm>>) target(%dma_start3A_218 : memref<128x64xf32, #tpu.memory_space<vmem>>) offsets(%dma_start3A_221 : memref<128xi32, #tpu.memory_space<vmem>>) semaphore(%arg8 : memref<!tpu.dma_semaphore, #tpu.memory_space<semaphore_mem>>)
        %mul3A_225 = arith.constant 5 : i32
        %mul3A_226 = arith.muli %add3A_172, %mul3A_225 : i32
        %add3A_227 = arith.constant 4 : i32
        %add3A_228 = arith.addi %mul3A_226, %add3A_227 : i32
        %dma_start3A_229 = arith.constant 512 : i32
        %dma_start3A_230 = arith.constant 0 : i32
        %dma_start3A_231 = tpu.memref_slice %arg6[%dma_start3A_229, %dma_start3A_230] : memref<640x64xf32, #tpu.memory_space<vmem>> -> memref<128x64xf32, #tpu.memory_space<vmem>>
        %dma_start3A_232 = arith.constant 0 : i32
        %dma_start3A_233 = tpu.memref_slice %arg5[%add3A_228, %dma_start3A_232] : memref<50x128xi32, #tpu.memory_space<vmem>> -> memref<1x128xi32, #tpu.memory_space<vmem>>
        %dma_start3A_234 = tpu.memref_squeeze %dma_start3A_233 : memref<1x128xi32, #tpu.memory_space<vmem>> -> memref<128xi32, #tpu.memory_space<vmem>>
        %dma_start3A_235 = arith.constant 0 : i32
        %dma_start3A_236 = arith.constant 0 : i32
        %dma_start3A_237 = tpu.memref_slice %arg3[%dma_start3A_235, %dma_start3A_236] : memref<1000000x64xf32, #tpu.memory_space<hbm>> -> memref<1000000x64xf32, #tpu.memory_space<hbm>>
        tpu.enqueue_indirect_dma source(%dma_start3A_237 : memref<1000000x64xf32, #tpu.memory_space<hbm>>) target(%dma_start3A_231 : memref<128x64xf32, #tpu.memory_space<vmem>>) offsets(%dma_start3A_234 : memref<128xi32, #tpu.memory_space<vmem>>) semaphore(%arg8 : memref<!tpu.dma_semaphore, #tpu.memory_space<semaphore_mem>>)
      } else {
      }
      %add3A_162 = arith.constant 1 : i32
      %add3A_163 = arith.addi %mul3A_65, %add3A_162 : i32
      %mul3A_164 = arith.constant 640 : i32
      %mul3A_165 = arith.muli %add3A_163, %mul3A_164 : i32
      %add3A_166 = arith.addi %mul3A_2, %mul3A_165 : i32
      %dma_start3A_167 = arith.constant 0 : i32
      %dma_start3A_168 = tpu.memref_slice %arg4[%add3A_166, %dma_start3A_167] : memref<204800x64xf32, #tpu.memory_space<hbm>> -> memref<640x64xf32, #tpu.memory_space<hbm>>
      %dma_start3A_169 = arith.constant 0 : i32
      %dma_start3A_170 = tpu.memref_slice %arg4[%add3A_166, %dma_start3A_169] : memref<204800x64xf32, #tpu.memory_space<hbm>> -> memref<640x64xf32, #tpu.memory_space<hbm>>
      tpu.enqueue_dma source(%arg7 : memref<640x64xf32, #tpu.memory_space<vmem>>) target(%dma_start3A_170 : memref<640x64xf32, #tpu.memory_space<hbm>>) target_semaphore(%arg11 : memref<!tpu.dma_semaphore, #tpu.memory_space<semaphore_mem>>)
    }
    %scan3A_55 = arith.constant 5 : i32
    %dma_wait3A = arith.constant 0 : i32
    %dma_wait3A_56 = tpu.memref_slice %arg4[%mul3A_2, %dma_wait3A] : memref<204800x64xf32, #tpu.memory_space<hbm>> -> memref<640x64xf32, #tpu.memory_space<hbm>>
    %dma_wait3A_57 = arith.constant 0 : i32
    %dma_wait3A_58 = tpu.memref_slice %arg4[%mul3A_2, %dma_wait3A_57] : memref<204800x64xf32, #tpu.memory_space<hbm>> -> memref<640x64xf32, #tpu.memory_space<hbm>>
    tpu.wait_dma2 semaphore(%arg11 : memref<!tpu.dma_semaphore, #tpu.memory_space<semaphore_mem>>) src(%arg7 : memref<640x64xf32, #tpu.memory_space<vmem>>) dst(%dma_wait3A_58 : memref<640x64xf32, #tpu.memory_space<hbm>>)
    return
  }
}

</mosaic_0001>

<sc_bundles>
// kernel: _gather.3.cloned.1.call-start
scs
__scs_entry_jumppad:
0x0: {  	(pc) =	sbr.rel $0x88, $3  }
0x1: {  	(tag) =	ssettag $0x0;
	lr =	simm.s32 $0x1  }
0x2: {  	[smem:$0x3F9F] =	sst lr;
	_ =	strace $0xD0000000  }
0x3: {  	_ = 	snop  }
0x4: {  	_ = 	snop  }
0x5: {  	_ = 	snop  }
0x6: {  	_ = 	snop  }
0x7: {  	_ = 	snop  }
__scs_overlays_trampoline_lowered:
0x8: {  	[smem:$0x3FAE] =	sst s0  }
0x9: {  	[smem:$0x3FAF] =	sst s1  }
0xa: {  	[smem:$0x3FB0] =	sst s2  }
0xb: {  	[smem:$0x3FB1] =	sst s3  }
0xc: {  	[smem:$0x3FB2] =	sst s4  }
0xd: {  	[smem:$0x3FB3] =	sst s5  }
0xe: {  	[smem:$0x3FB4] =	sst s6  }
0xf: {  	[smem:$0x3FB5] =	sst s7  }
0x10: {  	[smem:$0x3FB6] =	sst s8  }
0x11: {  	[smem:$0x3FB7] =	sst s9;
	s0 =	simm.s32 @!p0 $0x0  }
0x12: {  	s1 =	sld [smem:$0x3F9D];
	s0 =	simm.s32 @p0 $0x1  }
0x13: {  	[smem:$0x3FB8] =	sst s0;
	s0 =	simm.s32 @!p1 $0x0  }
0x14: {  	s2 =	sld [smem:$0x3F9C];
	s0 =	simm.s32 @p1 $0x1  }
0x15: {  	[smem:$0x3FB9] =	sst s0;
	s0 =	simm.s32 @!p2 $0x0  }
0x16: {  	s3 =	sld [smem:$0x3FDB];
	s0 =	simm.s32 @p2 $0x1  }
0x17: {  	s4 =	simm.s32 $0x1BF5;
	[smem:$0x3FBB] =	sst s0  }
0x18: {  	s0 =	sld [smem:$0x3F9E];
	_ =	swait.ge [sflag:s4], $0x0  }
0x19: {  	s7 =	sld [smem:$0x3F9F]  }
0x1a: {  	s8 =	sadd.s32 $0xFFFFE003, lr  }
0x1b: {  	s9 =	sadd.s32 $0xFFFFFEF7, lr;
	s5 =	simm.s32 $0xFFFFFFFF;
	p2 =	slt.u32 s8, $0xFFFFF086  }
0x1c: {  	p1 =	slt.u32 s9, $0xF7A;
	s5 =	simm.s32 @!p2 $0x0  }
0x1d: {  	s5 =	simm.s32 @p1 $0x1;
	p0 =	seq.s32 s7, s2  }
0x1e: {  	s7 =	smul.u32 @!p0 $0xF7A, s2;
	p2 =	seq.s32 @!p0 s5, $0x0  }
0x1f: {  	s9 =	smul.u32 $0xF7A, s1;
	s8 =	simm.s32 @!p0 $0x1BF5;
	p2 =	por !p2, p0  }
0x20: {  	[sflag:s8] =	ssyncset.s32 @!p0 $0xFFFFF086;
	s6 =	sadd.s32 @!p0 s3, s7;
	s7 =	simm.s32 @!p0 $0x108  }
0x21: {  	s3 =	sadd.s32 s3, s9;
	s6 =	sadd.s32 @!p0 $0x88, s6;
	s7 =	simm.s32 @p2 $0x1082  }
0x22: {  	[simem:s7], [sflag:s8] =	dma.local @!p0 [hbm:s6], $0xF7A  }
0x23: {  	s9 =	sor.u32 $0xD0000000, s2;
	s6 =	simm.s32 $0x108;
	_ =	swait.ge @!p0 [sflag:s8], $0x0  }
0x24: {  	s3 =	sadd.s32 $0x88, s3;
	s6 =	simm.s32 @!p1 $0x1082;
	[sflag:s4] =	ssyncset.s32 $0xFFFFF086  }
0x25: {  	[simem:s6], [sflag:s4] =	dma.local [hbm:s3], $0xF7A  }
0x26: {  	[smem:$0x3F9F] =	sst s1;
	(tag) =	ssettag s2;
	_ =	strace s9  }
0x27: {  	s1 =	sld [smem:$0x3FAF]  }
0x28: {  	s2 =	sld [smem:$0x3FB0]  }
0x29: {  	s4 =	sld [smem:$0x3FB2]  }
0x2a: {  	p0 =	seq.s32 s5, $0x0;
	s5 =	sld [smem:$0x3FB3]  }
0x2b: {  	s6 =	sld [smem:$0x3FB4]  }
0x2c: {  	s7 =	sld [smem:$0x3FB5]  }
0x2d: {  	s3 =	simm.s32 $0x108;
	s8 =	sld [smem:$0x3FB6]  }
0x2e: {  	s3 =	simm.s32 @!p0 $0x1082;
	s9 =	sld [smem:$0x3FB7]  }
0x2f: {  	lr =	sadd.s32 s0, s3;
	s0 =	sld [smem:$0x3FAE]  }
0x30: {  	s3 =	sld [smem:$0x3FB1]  }
0x31: {  	[smem:$0x3FBA] =	sst s10  }
0x32: {  	s10 =	sld [smem:$0x3FB8];
	_ =	sdelay $0x3  }
0x33: {  	p0 =	seq.s32 s10, $0x1;
	s10 =	sld [smem:$0x3FBA];
	_ =	sdelay $0x3  }
0x34: {  	[smem:$0x3FBA] =	sst s10  }
0x35: {  	s10 =	sld [smem:$0x3FB9];
	_ =	sdelay $0x3  }
0x36: {  	p1 =	seq.s32 s10, $0x1;
	s10 =	sld [smem:$0x3FBA];
	_ =	sdelay $0x3  }
0x37: {  	[smem:$0x3FBA] =	sst s10  }
0x38: {  	s10 =	sld [smem:$0x3FBB]  }
0x39: {  	_ = 	snop;
	(pc) =	sbr.ind lr, $3  }
0x3a: {  	_ = 	snop  }
0x3b: {  	_ = 	snop  }
0x3c: {  	p2 =	seq.s32 s10, $0x1;
	s10 =	sld [smem:$0x3FBA]  }
0x3d: {  	_ =	shalt  }
0x3e: {  	_ =	shalt  }
0x3f: {  	_ =	shalt  }
0x40: {  	_ =	shalt  }
0x41: {  	_ =	shalt  }
0x42: {  	_ =	shalt  }
0x43: {  	_ =	shalt  }
0x44: {  	_ =	shalt  }
0x45: {  	_ =	shalt  }
0x46: {  	_ =	shalt  }
0x47: {  	_ =	shalt  }
0x48: {  	_ =	shalt  }
0x49: {  	_ =	shalt  }
0x4a: {  	_ =	shalt  }
0x4b: {  	_ =	shalt  }
0x4c: {  	_ =	shalt  }
0x4d: {  	_ =	shalt  }
0x4e: {  	_ =	shalt  }
0x4f: {  	_ =	shalt  }
0x50: {  	_ =	shalt  }
0x51: {  	_ =	shalt  }
0x52: {  	_ =	shalt  }
0x53: {  	_ =	shalt  }
0x54: {  	_ =	shalt  }
0x55: {  	_ =	shalt  }
0x56: {  	_ =	shalt  }
0x57: {  	_ =	shalt  }
0x58: {  	_ =	shalt  }
0x59: {  	_ =	shalt  }
0x5a: {  	_ =	shalt  }
0x5b: {  	_ =	shalt  }
0x5c: {  	_ =	shalt  }
0x5d: {  	_ =	shalt  }
0x5e: {  	_ =	shalt  }
0x5f: {  	_ =	shalt  }
0x60: {  	_ =	shalt  }
0x61: {  	_ =	shalt  }
0x62: {  	_ =	shalt  }
0x63: {  	_ =	shalt  }
0x64: {  	_ =	shalt  }
0x65: {  	_ =	shalt  }
0x66: {  	_ =	shalt  }
0x67: {  	_ =	shalt  }
0x68: {  	_ =	shalt  }
0x69: {  	_ =	shalt  }
0x6a: {  	_ =	shalt  }
0x6b: {  	_ =	shalt  }
0x6c: {  	_ =	shalt  }
0x6d: {  	_ =	shalt  }
0x6e: {  	_ =	shalt  }
0x6f: {  	_ =	shalt  }
0x70: {  	_ =	shalt  }
0x71: {  	_ =	shalt  }
0x72: {  	_ =	shalt  }
0x73: {  	_ =	shalt  }
0x74: {  	_ =	shalt  }
0x75: {  	_ =	shalt  }
0x76: {  	_ =	shalt  }
0x77: {  	_ =	shalt  }
0x78: {  	_ =	shalt  }
0x79: {  	_ =	shalt  }
0x7a: {  	_ =	shalt  }
0x7b: {  	_ =	shalt  }
0x7c: {  	_ =	shalt  }
0x7d: {  	_ =	shalt  }
0x7e: {  	_ =	shalt  }
0x7f: {  	_ =	shalt  }
0x80: {  	_ =	shalt  }
0x81: {  	_ =	shalt  }
0x82: {  	_ =	shalt  }
0x83: {  	_ =	shalt  }
0x84: {  	_ =	shalt  }
0x85: {  	_ =	shalt  }
0x86: {  	_ =	shalt  }
0x87: {  	_ =	shalt  }
.Lfunc_end0:
.L_simem_size_0:
called_computation.1_lowered:
.L_overlay_start_0:
0x88: {  	s2 =	sld [smem:$0x3FD9]  }
0x89: {  	s3 =	sld [smem:$0x3FFE];
	_ =	sdelay $0x1  }
0x8a: {  	s1 =	srdreg.scid  }
0x8b: {  	s0 =	sand.u32 $0x1, s1  }
0x8c: {  	s17 =	sshll.u32 s0, $0xA;
	s2 =	sadd.s32 s3, s2  }
0x8d: {  	s2 =	sadd.s32 s2, s17  }
0x8e: {  	[smem:$0x3FC6] =	sst s2  }
0x8f: {  	_ = 	snop  }
0x90: {  	s2 =	sld [smem:$0x3FD0];
	(tm) =	ssettm $0x1  }
0x91: {  	s18 =	sld [smem:$0x3FFB];
	_ =	sdelay $0x3  }
0x92: {  	_ =	strace s18  }
0x93: {  	s3 =	sld [smem:$0x3FFC];
	_ =	sdelay $0x3  }
0x94: {  	_ =	strace s3  }
0x95: {  	s3 =	sld [smem:$0x3FFD];
	_ =	sdelay $0x3  }
0x96: {  	_ =	strace s3  }
0x97: {  	_ =	strace $0x8FFFFFFF  }
0x98: {  	s19 =	sld [smem:$0x3FDB];
	_ =	sdelay $0x1  }
0x99: {  	s4 =	simm.s32 $_scs_section_size  }
0x9a: {  	s5 =	simm.s32 $_size__tile_overlayer_lowered;
	s6 =	simm.s32 $_tile_overlayer_lowered  }
0x9b: {  	s22 =	simm.s32 $0x1BFF;
	s21 =	sshll.u32 s6, $0x1;
	s3 =	sadd.s32 s4, s19  }
0x9c: {  	s7 =	simm.s32 $0x0;
	s20 =	sshll.u32 s5, $0x1;
	s5 =	sadd.s32 s21, s3  }
0x9d: {  	[timem:s7], [sflag:s22] =	dma.local [hbm:s5], s20  }
0x9e: {  	_ =	swait.ge [sflag:s22], s20  }
0x9f: {  	s4 =	ssub.s32 $0x0, s20;
	[sflag:s22] =	ssyncset.done $0x0  }
0xa0: {  	[sflag:s22] =	ssyncadd.s32 s4;
	_ =	sdelay $0x1  }
0xa1: {  	s23 =	simm.s32 $0x1B8B  }
0xa2: {  	_ =	swait.ge [sflag:s23], $0x1  }
0xa3: {  	[sflag:s23] =	ssyncset.done $0x0  }
0xa4: {  	s25 =	simm.s32 $0x1B8E;
	s24 =	sld [smem:$0x3FFE];
	[sflag:s23] =	ssyncadd.s32 $0xFFFFFFFF  }
0xa5: {  	s26 =	simm.s32 $execute0_lowered;
	[smem:$0x3FD2] =	sst s25  }
0xa6: {  	s5 =	sshll.u32 s26, $0x1;
	_ =	strace $0x80000046;
	[dreg:$0x1] =	wrdreg $0xFFFFFFFF  }
0xa7: {  	s28 =	simm.s32 $_size_execute0_lowered;
	s3 =	sadd.s32 s3, s5;
	[dreg:$0x0] =	wrdreg $0x0  }
0xa8: {  	s5 =	sshll.u32 s28, $0x1;
	[dreg:$0x2] =	wrdreg s3  }
0xa9: {  	[dreg:$0x3] =	wrdreg s5  }
0xaa: {  	[dreg:$0x4] =	wrdreg $0xC0  }
0xab: {  	_ =	task [dreg:s7], $0x5FFFF  }
0xac: {  	[dreg:$0x1] =	wrdreg $0xFFFFFFFF  }
0xad: {  	[dreg:$0x0] =	wrdreg $0x60  }
0xae: {  	[dreg:$0x2] =	wrdreg s24  }
0xaf: {  	[dreg:$0x3] =	wrdreg s2  }
0xb0: {  	[dreg:$0x4] =	wrdreg $0x9  }
0xb1: {  	_ =	task.clear_ibuf [dreg:s7], $0x5FFFF;
	_ =	strace $0x90000046  }
0xb2: {  	s29 =	simm.s32 $0x9;
	_ =	strace $0x80000048  }
0xb3: {  	_ =	swait.ge [sflag:s29], $0x1  }
0xb4: {  	[sflag:s29] =	ssyncadd.s32 $0xFFFFFFFF  }
0xb5: {  	_ =	strace $0x90000048  }
0xb6: {  	_ =	sfence  }
0xb7: {  	s30 =	sld [smem:$0x0];
	_ =	sdelay $0x2  }
0xb8: {  	s31 =	sshll.u32 s1, $0xD;
	s1 =	sshrl.u32 s1, $0x2  }
0xb9: {  	s3 =	sand.u32 $0x4000, s31;
	s1 =	sadd.s32 s1, s30  }
0xba: {  	s0 =	sor.u32 s3, s0;
	s1 =	sshll.u32 s1, $0x11  }
0xbb: {  	s0 =	sor.u32 s1, s0  }
0xbc: {  	s0 =	sadd.s32 $0x8F2B, s0  }
0xbd: {  	[sflag:s0] =	ssyncadd.remote.s32 $0x1  }
0xbe: {  	_ =	sfence.sel $0xFFFF  }
0xbf: {  	[dreg:$0x0] =	wrdreg $0xFFFFFFFF;
	(pc) =	sbr.abs _section_cstart, $3  }
0xc0: {  	[dreg:$0x1] =	wrdreg $0xFFFFFFFF  }
0xc1: {  	_ =	task.clear_ibuf [dreg:s7], $0x2FFFF;
	_ =	strace $0x9FFFFFFF  }
0xc2: {  	(tm) =	ssettm $0x7FFFFFFF  }
0xc3: {  	_ =	shalt  }
tec
execute0_lowered:
.L_overlay_start_1:
0x0: {  	(tag) =	ssettag $0x1  }
0x1: {  	s3 =	rddreg [dreg:$0x0]  }
0x2: {  	s4 =	rddreg [dreg:$0x1];
	s2 =	simm.s32 $0x0  }
0x3: {  	s7 =	simm.s32 $0x100;
	[smem:$0x7FF] =	sst s2  }
0x4: {  	s8 =	simm.s32 $0x180;
	_ =	strace $0x80000047;
	[dreg:$0xd] =	wrdreg s7  }
0x5: {  	s9 =	simm.s32 $0x200;
	[dreg:$0xe] =	wrdreg s8  }
0x6: {  	s10 =	simm.s32 $0x280;
	[dreg:$0xf] =	wrdreg s9  }
0x7: {  	s11 =	simm.s32 $0x300;
	[dreg:$0x10] =	wrdreg s10  }
0x8: {  	s12 =	simm.s32 $0x380;
	[dreg:$0x11] =	wrdreg s11  }
0x9: {  	s13 =	simm.s32 $0x400;
	[dreg:$0x12] =	wrdreg s12  }
0xa: {  	s14 =	simm.s32 $0x480;
	[dreg:$0x13] =	wrdreg s13  }
0xb: {  	s0 =	srdreg.scid;
	s15 =	simm.s32 $0x500;
	[dreg:$0x14] =	wrdreg s14  }
0xc: {  	s20 =	stileid.u32;
	s16 =	simm.s32 $0x580;
	[dreg:$0x15] =	wrdreg s15  }
0xd: {  	s17 =	simm.s32 $0x600;
	s18 =	simm.s32 $0x680;
	[dreg:$0x16] =	wrdreg s16  }
0xe: {  	s1 =	sand.u32 $0x1, s0;
	s21 =	sshll.u32 s20, $0x1;
	[dreg:$0x17] =	wrdreg s17  }
0xf: {  	s0 =	sor.u32 s1, s21;
	[dreg:$0x18] =	wrdreg s18;
	s21 =	simm.s32 $0x700  }
0x10: {  	s7 =	simm.s32 $0xB00;
	[dreg:$0x19] =	wrdreg s21  }
0x11: {  	s8 =	simm.s32 $0xB80;
	[smem:$0x7EC] =	sst s7  }
0x12: {  	s9 =	simm.s32 $0xC00;
	[smem:$0x7ED] =	sst s8  }
0x13: {  	s10 =	simm.s32 $0xC80;
	[smem:$0x7EE] =	sst s9  }
0x14: {  	s11 =	simm.s32 $0xD00;
	[smem:$0x7EF] =	sst s10  }
0x15: {  	s12 =	simm.s32 $0xD80;
	[smem:$0x7F0] =	sst s11  }
0x16: {  	s13 =	simm.s32 $0xE00;
	[smem:$0x7F1] =	sst s12  }
0x17: {  	s31 =	simm.s32 $0x5;
	s14 =	simm.s32 $0xE80;
	[smem:$0x7F2] =	sst s13  }
0x18: {  	s28 =	simm.s32 $0x1480;
	s15 =	simm.s32 $0xF00;
	[smem:$0x7F3] =	sst s14  }
0x19: {  	s29 =	simm.s32 $0x1500;
	s16 =	simm.s32 $0xF80;
	[smem:$0x7F4] =	sst s15  }
0x1a: {  	s17 =	simm.s32 $0x1000;
	s5 =	smul.u32 $0x320, s0;
	[smem:$0x7F5] =	sst s16  }
0x1b: {  	s18 =	simm.s32 $0x1080;
	s0 =	smul.u32 $0xC800, s0;
	[smem:$0x7F6] =	sst s17  }
0x1c: {  	[smem:$0x7F7] =	sst s18;
	s21 =	simm.s32 $0x1100;
	s5 =	sadd.s32 s5, s3  }
0x1d: {  	[smem:$0x7F8] =	sst s21;
	s19 =	sadd.s32 s4, s0;
	s5 =	sadd.s32 $0xA00, s5  }
0x1e: {  	s30 =	simm.s32 $0x1580;
	s0 =	sadd.s32 $0x1400, s19;
	[dreg:$0x3] =	wrdreg s5  }
0x1f: {  	p0 =	por $0x0, $0x0;
	s22 =	sadd.s32 $0x2800, s19;
	[dreg:$0x4] =	wrdreg s0  }
0x20: {  	s1 =	ssub.s32 $0x2, s1;
	s23 =	sadd.s32 $0x3C00, s19;
	[dreg:$0x5] =	wrdreg s22  }
0x21: {  	s7 =	simm.s32 $0x3900;
	s24 =	sadd.s32 $0x5000, s19;
	[dreg:$0x6] =	wrdreg s23  }
0x22: {  	s8 =	simm.s32 $0x5900;
	s25 =	sadd.s32 $0x6400, s19;
	[dreg:$0x7] =	wrdreg s24  }
0x23: {  	s9 =	simm.s32 $0x7900;
	s26 =	sadd.s32 $0x7800, s19;
	[dreg:$0x8] =	wrdreg s25  }
0x24: {  	s10 =	simm.s32 $0x9900;
	s4 =	sadd.s32 $0x8C00, s19;
	[dreg:$0x9] =	wrdreg s26  }
0x25: {  	s11 =	simm.s32 $0xD900;
	s6 =	sadd.s32 $0xB400, s19;
	[dreg:$0xa] =	wrdreg s4  }
0x26: {  	s12 =	simm.s32 $0xF900;
	s5 =	sadd.s32 $0xA000, s19;
	[dreg:$0xc] =	wrdreg s6  }
0x27: {  	s15 =	simm.s32 $0x11900;
	s22 =	simm.s32 $0x780;
	[dreg:$0xb] =	wrdreg s5  }
0x28: {  	s18 =	simm.s32 $0x13900;
	s23 =	simm.s32 $0x800;
	[dreg:$0x1a] =	wrdreg s22  }
0x29: {  	s17 =	simm.s32 $0x1;
	s24 =	simm.s32 $0x880;
	[dreg:$0x1b] =	wrdreg s23  }
0x2a: {  	s16 =	simm.s32 $0x2;
	s25 =	simm.s32 $0x900;
	[dreg:$0x1c] =	wrdreg s24  }
0x2b: {  	s14 =	simm.s32 $0x3;
	s26 =	simm.s32 $0x980;
	[dreg:$0x1d] =	wrdreg s25  }
0x2c: {  	s13 =	simm.s32 $0x4;
	s4 =	simm.s32 $0xA00;
	[dreg:$0x1e] =	wrdreg s26  }
0x2d: {  	s21 =	simm.s32 $0x1680;
	s6 =	simm.s32 $0xA80;
	[dreg:$0x1f] =	wrdreg s4  }
0x2e: {  	s3 =	sadd.s32 $0xF42E00, s3;
	s5 =	sshrl.u32 s1, $0x1;
	[smem:$0x7EB] =	sst s6  }
0x2f: {  	s22 =	simm.s32 $0x1180;
	s0 =	rddreg [dreg:$0x3];
	s1 =	ssub.s32 s1, s5  }
0x30: {  	s23 =	simm.s32 $0x1200;
	[smem:$0x7F9] =	sst s22;
	s1 =	smax.u32 s1, $0x1  }
0x31: {  	s24 =	simm.s32 $0x1280;
	[smem:$0x7FA] =	sst s23;
	p1 =	sne.s32 s1, $0x1  }
.Ltmp0:
0x32: {  	s25 =	simm.s32 $0x1300;
	[smem:$0x7FB] =	sst s24;
	(pc) =	sbr.rel @!p1 .LBB2_1-.Ltmp0, $4  }
0x33: {  	s4 =	simm.s32 $0x1900;
	s26 =	simm.s32 $0x1380;
	[smem:$0x7FC] =	sst s25  }
0x34: {  	s6 =	simm.s32 $0xB900;
	s5 =	simm.s32 $0x80;
	[smem:$0x7FD] =	sst s26  }
0x35: {  	s26 =	simm.s32 $0x1600;
	s22 =	simm.s32 $0x1700;
	s23 =	simm.s32 $0x1780  }
0x36: {  	s24 =	simm.s32 $0x1800;
	s25 =	simm.s32 $0x1880;
	s1 =	sadd.s32 $0xFFFFFFFF, s1  }
0x37: {  	[tilespmem:s2], [sflag:$0x5] =	stream.linear.gather [hbm4b:s0+s2], $0x1900, $0x38;
	[tilespmem:$0x15900] =	vst v63  }
0x38: {  	_ =	swait.ge [sflag:s31], $0x1900  }
0x39: {  	[sflag:s31] =	ssyncset.done $0x0  }
0x3a: {  	[sflag:s31] =	ssyncadd.s32 $0xFFFFE700  }
0x3b: {  	[tilespmem:s4], [sflag:$0x1] =	stream.indirect.gather [hbm4b:s3+s5], $0x40, s2, s5, $0xb8;
	[tilespmem:$0x15900] =	vst v63  }
0x3c: {  	_ = 	snop  }
0x3d: {  	[tilespmem:s7], [sflag:$0x1] =	stream.indirect.gather [hbm4b:s3+s5], $0x40, s5, s5, $0xb8;
	[tilespmem:$0x15900] =	vst v63  }
0x3e: {  	s0 =	rddreg [dreg:$0xd]  }
0x3f: {  	[tilespmem:s8], [sflag:$0x1] =	stream.indirect.gather [hbm4b:s3+s5], $0x40, s0, s5, $0xb8;
	[tilespmem:$0x15900] =	vst v63  }
0x40: {  	s20 =	smov.u32 s1;
	s1 =	rddreg [dreg:$0xe]  }
0x41: {  	[tilespmem:s9], [sflag:$0x1] =	stream.indirect.gather [hbm4b:s3+s5], $0x40, s1, s5, $0xb8;
	[tilespmem:$0x15900] =	vst v63  }
0x42: {  	s0 =	rddreg [dreg:$0xf]  }
0x43: {  	[tilespmem:s10], [sflag:$0x1] =	stream.indirect.gather [hbm4b:s3+s5], $0x40, s0, s5, $0xb8;
	[tilespmem:$0x15900] =	vst v63  }
0x44: {  	s1 =	rddreg [dreg:$0x10]  }
0x45: {  	[tilespmem:s6], [sflag:$0x2] =	stream.indirect.gather [hbm4b:s3+s5], $0x40, s1, s5, $0xb8;
	[tilespmem:$0x15900] =	vst v63  }
0x46: {  	s0 =	rddreg [dreg:$0x11]  }
0x47: {  	[tilespmem:s11], [sflag:$0x2] =	stream.indirect.gather [hbm4b:s3+s5], $0x40, s0, s5, $0xb8;
	[tilespmem:$0x15900] =	vst v63  }
0x48: {  	s1 =	rddreg [dreg:$0x12]  }
0x49: {  	[tilespmem:s12], [sflag:$0x2] =	stream.indirect.gather [hbm4b:s3+s5], $0x40, s1, s5, $0xb8;
	[tilespmem:$0x15900] =	vst v63  }
0x4a: {  	s0 =	rddreg [dreg:$0x13]  }
0x4b: {  	[tilespmem:s15], [sflag:$0x2] =	stream.indirect.gather [hbm4b:s3+s5], $0x40, s0, s5, $0xb8;
	[tilespmem:$0x15900] =	vst v63  }
0x4c: {  	s1 =	rddreg [dreg:$0x14]  }
0x4d: {  	[tilespmem:s18], [sflag:$0x2] =	stream.indirect.gather [hbm4b:s3+s5], $0x40, s1, s5, $0xb8;
	[tilespmem:$0x15900] =	vst v63  }
0x4e: {  	_ =	swait.ge [sflag:s17], $0xA000  }
0x4f: {  	[sflag:s17] =	ssyncset.done $0x0  }
0x50: {  	[sflag:s17] =	ssyncadd.s32 $0xFFFF6000  }
0x51: {  	[hbm4b:s19+s2] =	stream.linear.scatter [tilespmem:s4], [sflag:$0x3], $0xA000, $0x38;
	[tilespmem:$0x15900] =	vst v63  }
0x52: {  	_ =	swait.ge [sflag:s16], $0xA000  }
0x53: {  	[sflag:s16] =	ssyncset.done $0x0  }
0x54: {  	[sflag:s16] =	ssyncadd.s32 $0xFFFF6000  }
0x55: {  	_ =	swait.ge [sflag:s14], $0xA000  }
0x56: {  	[sflag:s14] =	ssyncset.done $0x0  }
0x57: {  	s0 =	rddreg [dreg:$0x15];
	[sflag:s14] =	ssyncadd.s32 $0xFFFF6000  }
0x58: {  	[tilespmem:s4], [sflag:$0x1] =	stream.indirect.gather [hbm4b:s3+s5], $0x40, s0, s5, $0xb8;
	[tilespmem:$0x15900] =	vst v63  }
0x59: {  	s1 =	rddreg [dreg:$0x16]  }
0x5a: {  	[tilespmem:s7], [sflag:$0x1] =	stream.indirect.gather [hbm4b:s3+s5], $0x40, s1, s5, $0xb8;
	[tilespmem:$0x15900] =	vst v63  }
0x5b: {  	s0 =	rddreg [dreg:$0x17]  }
0x5c: {  	[tilespmem:s8], [sflag:$0x1] =	stream.indirect.gather [hbm4b:s3+s5], $0x40, s0, s5, $0xb8;
	[tilespmem:$0x15900] =	vst v63  }
0x5d: {  	s1 =	rddreg [dreg:$0x18]  }
0x5e: {  	[tilespmem:s9], [sflag:$0x1] =	stream.indirect.gather [hbm4b:s3+s5], $0x40, s1, s5, $0xb8;
	[tilespmem:$0x15900] =	vst v63  }
0x5f: {  	s0 =	rddreg [dreg:$0x19]  }
0x60: {  	[tilespmem:s10], [sflag:$0x1] =	stream.indirect.gather [hbm4b:s3+s5], $0x40, s0, s5, $0xb8;
	[tilespmem:$0x15900] =	vst v63  }
0x61: {  	s1 =	rddreg [dreg:$0x4]  }
0x62: {  	[hbm4b:s1+s2] =	stream.linear.scatter [tilespmem:s6], [sflag:$0x4], $0xA000, $0x38;
	[tilespmem:$0x15900] =	vst v63  }
0x63: {  	_ =	swait.ge [sflag:s13], $0xA000  }
0x64: {  	[sflag:s13] =	ssyncset.done $0x0  }
0x65: {  	s0 =	rddreg [dreg:$0x1a];
	[sflag:s13] =	ssyncadd.s32 $0xFFFF6000  }
0x66: {  	[tilespmem:s6], [sflag:$0x2] =	stream.indirect.gather [hbm4b:s3+s5], $0x40, s0, s5, $0xb8;
	[tilespmem:$0x15900] =	vst v63  }
0x67: {  	s1 =	rddreg [dreg:$0x1b]  }
0x68: {  	[tilespmem:s11], [sflag:$0x2] =	stream.indirect.gather [hbm4b:s3+s5], $0x40, s1, s5, $0xb8;
	[tilespmem:$0x15900] =	vst v63  }
0x69: {  	s0 =	rddreg [dreg:$0x1c]  }
0x6a: {  	[tilespmem:s12], [sflag:$0x2] =	stream.indirect.gather [hbm4b:s3+s5], $0x40, s0, s5, $0xb8;
	[tilespmem:$0x15900] =	vst v63  }
0x6b: {  	s1 =	rddreg [dreg:$0x1d]  }
0x6c: {  	[tilespmem:s15], [sflag:$0x2] =	stream.indirect.gather [hbm4b:s3+s5], $0x40, s1, s5, $0xb8;
	[tilespmem:$0x15900] =	vst v63  }
0x6d: {  	s0 =	rddreg [dreg:$0x1e]  }
0x6e: {  	[tilespmem:s18], [sflag:$0x2] =	stream.indirect.gather [hbm4b:s3+s5], $0x40, s0, s5, $0xb8;
	[tilespmem:$0x15900] =	vst v63  }
0x6f: {  	_ =	swait.ge [sflag:s17], $0xA000  }
0x70: {  	[sflag:s17] =	ssyncset.done $0x0  }
0x71: {  	s1 =	rddreg [dreg:$0x5];
	[sflag:s17] =	ssyncadd.s32 $0xFFFF6000  }
0x72: {  	[hbm4b:s1+s2] =	stream.linear.scatter [tilespmem:s4], [sflag:$0x3], $0xA000, $0x38;
	[tilespmem:$0x15900] =	vst v63  }
0x73: {  	_ =	swait.ge [sflag:s16], $0xA000  }
0x74: {  	[sflag:s16] =	ssyncset.done $0x0  }
0x75: {  	[sflag:s16] =	ssyncadd.s32 $0xFFFF6000  }
0x76: {  	_ =	swait.ge [sflag:s14], $0xA000  }
0x77: {  	s0 =	rddreg [dreg:$0x1f];
	[sflag:s14] =	ssyncset.done $0x0  }
0x78: {  	s1 =	sld [smem:$0x7EB];
	[sflag:s14] =	ssyncadd.s32 $0xFFFF6000  }
0x79: {  	[tilespmem:s4], [sflag:$0x1] =	stream.indirect.gather [hbm4b:s3+s5], $0x40, s0, s5, $0xb8;
	[tilespmem:$0x15900] =	vst v63  }
0x7a: {  	s0 =	sld [smem:$0x7EC]  }
0x7b: {  	[tilespmem:s7], [sflag:$0x1] =	stream.indirect.gather [hbm4b:s3+s5], $0x40, s1, s5, $0xb8;
	[tilespmem:$0x15900] =	vst v63  }
0x7c: {  	s1 =	sld [smem:$0x7ED]  }
0x7d: {  	[tilespmem:s8], [sflag:$0x1] =	stream.indirect.gather [hbm4b:s3+s5], $0x40, s0, s5, $0xb8;
	[tilespmem:$0x15900] =	vst v63  }
0x7e: {  	s0 =	sld [smem:$0x7EE]  }
0x7f: {  	[tilespmem:s9], [sflag:$0x1] =	stream.indirect.gather [hbm4b:s3+s5], $0x40, s1, s5, $0xb8;
	[tilespmem:$0x15900] =	vst v63  }
0x80: {  	_ = 	snop  }
0x81: {  	[tilespmem:s10], [sflag:$0x1] =	stream.indirect.gather [hbm4b:s3+s5], $0x40, s0, s5, $0xb8;
	[tilespmem:$0x15900] =	vst v63  }
0x82: {  	s1 =	rddreg [dreg:$0x6]  }
0x83: {  	[hbm4b:s1+s2] =	stream.linear.scatter [tilespmem:s6], [sflag:$0x4], $0xA000, $0x38;
	[tilespmem:$0x15900] =	vst v63  }
0x84: {  	_ =	swait.ge [sflag:s13], $0xA000  }
0x85: {  	s0 =	sld [smem:$0x7EF]  }
0x86: {  	[sflag:s13] =	ssyncset.done $0x0  }
0x87: {  	s1 =	sld [smem:$0x7F0];
	[sflag:s13] =	ssyncadd.s32 $0xFFFF6000  }
0x88: {  	[tilespmem:s6], [sflag:$0x2] =	stream.indirect.gather [hbm4b:s3+s5], $0x40, s0, s5, $0xb8;
	[tilespmem:$0x15900] =	vst v63  }
0x89: {  	s0 =	sld [smem:$0x7F1]  }
0x8a: {  	[tilespmem:s11], [sflag:$0x2] =	stream.indirect.gather [hbm4b:s3+s5], $0x40, s1, s5, $0xb8;
	[tilespmem:$0x15900] =	vst v63  }
0x8b: {  	s1 =	sld [smem:$0x7F2]  }
0x8c: {  	[tilespmem:s12], [sflag:$0x2] =	stream.indirect.gather [hbm4b:s3+s5], $0x40, s0, s5, $0xb8;
	[tilespmem:$0x15900] =	vst v63  }
0x8d: {  	s0 =	sld [smem:$0x7F3]  }
0x8e: {  	[tilespmem:s15], [sflag:$0x2] =	stream.indirect.gather [hbm4b:s3+s5], $0x40, s1, s5, $0xb8;
	[tilespmem:$0x15900] =	vst v63  }
0x8f: {  	_ = 	snop  }
0x90: {  	[tilespmem:s18], [sflag:$0x2] =	stream.indirect.gather [hbm4b:s3+s5], $0x40, s0, s5, $0xb8;
	[tilespmem:$0x15900] =	vst v63  }
0x91: {  	_ =	swait.ge [sflag:s17], $0xA000  }
0x92: {  	[sflag:s17] =	ssyncset.done $0x0  }
0x93: {  	s1 =	rddreg [dreg:$0x7];
	[sflag:s17] =	ssyncadd.s32 $0xFFFF6000  }
0x94: {  	[hbm4b:s1+s2] =	stream.linear.scatter [tilespmem:s4], [sflag:$0x3], $0xA000, $0x38;
	[tilespmem:$0x15900] =	vst v63  }
0x95: {  	_ =	swait.ge [sflag:s16], $0xA000  }
0x96: {  	[sflag:s16] =	ssyncset.done $0x0  }
0x97: {  	[sflag:s16] =	ssyncadd.s32 $0xFFFF6000  }
0x98: {  	_ =	swait.ge [sflag:s14], $0xA000  }
0x99: {  	s0 =	sld [smem:$0x7F4]  }
0x9a: {  	[sflag:s14] =	ssyncset.done $0x0  }
0x9b: {  	s1 =	sld [smem:$0x7F5];
	[sflag:s14] =	ssyncadd.s32 $0xFFFF6000  }
0x9c: {  	[tilespmem:s4], [sflag:$0x1] =	stream.indirect.gather [hbm4b:s3+s5], $0x40, s0, s5, $0xb8;
	[tilespmem:$0x15900] =	vst v63  }
0x9d: {  	s0 =	sld [smem:$0x7F6]  }
0x9e: {  	[tilespmem:s7], [sflag:$0x1] =	stream.indirect.gather [hbm4b:s3+s5], $0x40, s1, s5, $0xb8;
	[tilespmem:$0x15900] =	vst v63  }
0x9f: {  	s1 =	sld [smem:$0x7F7]  }
0xa0: {  	[tilespmem:s8], [sflag:$0x1] =	stream.indirect.gather [hbm4b:s3+s5], $0x40, s0, s5, $0xb8;
	[tilespmem:$0x15900] =	vst v63  }
0xa1: {  	s0 =	sld [smem:$0x7F8]  }
0xa2: {  	[tilespmem:s9], [sflag:$0x1] =	stream.indirect.gather [hbm4b:s3+s5], $0x40, s1, s5, $0xb8;
	[tilespmem:$0x15900] =	vst v63  }
0xa3: {  	_ = 	snop  }
0xa4: {  	[tilespmem:s10], [sflag:$0x1] =	stream.indirect.gather [hbm4b:s3+s5], $0x40, s0, s5, $0xb8;
	[tilespmem:$0x15900] =	vst v63  }
0xa5: {  	s1 =	rddreg [dreg:$0x8]  }
0xa6: {  	[hbm4b:s1+s2] =	stream.linear.scatter [tilespmem:s6], [sflag:$0x4], $0xA000, $0x38;
	[tilespmem:$0x15900] =	vst v63  }
0xa7: {  	_ =	swait.ge [sflag:s13], $0xA000  }
0xa8: {  	s0 =	sld [smem:$0x7F9]  }
0xa9: {  	[sflag:s13] =	ssyncset.done $0x0  }
0xaa: {  	s1 =	sld [smem:$0x7FA];
	[sflag:s13] =	ssyncadd.s32 $0xFFFF6000  }
0xab: {  	[tilespmem:s6], [sflag:$0x2] =	stream.indirect.gather [hbm4b:s3+s5], $0x40, s0, s5, $0xb8;
	[tilespmem:$0x15900] =	vst v63  }
0xac: {  	s0 =	sld [smem:$0x7FB]  }
0xad: {  	[tilespmem:s11], [sflag:$0x2] =	stream.indirect.gather [hbm4b:s3+s5], $0x40, s1, s5, $0xb8;
	[tilespmem:$0x15900] =	vst v63  }
0xae: {  	s1 =	sld [smem:$0x7FC]  }
0xaf: {  	[tilespmem:s12], [sflag:$0x2] =	stream.indirect.gather [hbm4b:s3+s5], $0x40, s0, s5, $0xb8;
	[tilespmem:$0x15900] =	vst v63  }
0xb0: {  	s0 =	sld [smem:$0x7FD]  }
0xb1: {  	[tilespmem:s15], [sflag:$0x2] =	stream.indirect.gather [hbm4b:s3+s5], $0x40, s1, s5, $0xb8;
	[tilespmem:$0x15900] =	vst v63  }
0xb2: {  	_ = 	snop  }
0xb3: {  	[tilespmem:s18], [sflag:$0x2] =	stream.indirect.gather [hbm4b:s3+s5], $0x40, s0, s5, $0xb8;
	[tilespmem:$0x15900] =	vst v63  }
0xb4: {  	_ =	swait.ge [sflag:s17], $0xA000  }
0xb5: {  	[sflag:s17] =	ssyncset.done $0x0  }
0xb6: {  	s1 =	rddreg [dreg:$0x9];
	[sflag:s17] =	ssyncadd.s32 $0xFFFF6000  }
0xb7: {  	[hbm4b:s1+s2] =	stream.linear.scatter [tilespmem:s4], [sflag:$0x3], $0xA000, $0x38;
	[tilespmem:$0x15900] =	vst v63  }
0xb8: {  	_ =	swait.ge [sflag:s16], $0xA000  }
0xb9: {  	[sflag:s16] =	ssyncset.done $0x0  }
0xba: {  	[sflag:s16] =	ssyncadd.s32 $0xFFFF6000  }
0xbb: {  	_ =	swait.ge [sflag:s14], $0xA000  }
0xbc: {  	[sflag:s14] =	ssyncset.done $0x0  }
0xbd: {  	s1 =	simm.s32 $0x1400;
	[sflag:s14] =	ssyncadd.s32 $0xFFFF6000  }
0xbe: {  	[tilespmem:s4], [sflag:$0x1] =	stream.indirect.gather [hbm4b:s3+s5], $0x40, s1, s5, $0xb8;
	[tilespmem:$0x15900] =	vst v63  }
0xbf: {  	_ = 	snop  }
0xc0: {  	[tilespmem:s7], [sflag:$0x1] =	stream.indirect.gather [hbm4b:s3+s5], $0x40, s28, s5, $0xb8;
	[tilespmem:$0x15900] =	vst v63  }
0xc1: {  	_ = 	snop  }
0xc2: {  	[tilespmem:s8], [sflag:$0x1] =	stream.indirect.gather [hbm4b:s3+s5], $0x40, s29, s5, $0xb8;
	[tilespmem:$0x15900] =	vst v63  }
0xc3: {  	_ = 	snop  }
0xc4: {  	[tilespmem:s9], [sflag:$0x1] =	stream.indirect.gather [hbm4b:s3+s5], $0x40, s30, s5, $0xb8;
	[tilespmem:$0x15900] =	vst v63  }
0xc5: {  	_ = 	snop  }
0xc6: {  	[tilespmem:s10], [sflag:$0x1] =	stream.indirect.gather [hbm4b:s3+s5], $0x40, s26, s5, $0xb8;
	[tilespmem:$0x15900] =	vst v63  }
0xc7: {  	s1 =	rddreg [dreg:$0xa]  }
0xc8: {  	[hbm4b:s1+s2] =	stream.linear.scatter [tilespmem:s6], [sflag:$0x4], $0xA000, $0x38;
	[tilespmem:$0x15900] =	vst v63  }
0xc9: {  	_ =	swait.ge [sflag:s13], $0xA000  }
0xca: {  	[sflag:s13] =	ssyncset.done $0x0  }
0xcb: {  	[sflag:s13] =	ssyncadd.s32 $0xFFFF6000  }
0xcc: {  	[tilespmem:s6], [sflag:$0x2] =	stream.indirect.gather [hbm4b:s3+s5], $0x40, s21, s5, $0xb8;
	[tilespmem:$0x15900] =	vst v63  }
0xcd: {  	_ = 	snop  }
0xce: {  	[tilespmem:s11], [sflag:$0x2] =	stream.indirect.gather [hbm4b:s3+s5], $0x40, s22, s5, $0xb8;
	[tilespmem:$0x15900] =	vst v63  }
0xcf: {  	_ = 	snop  }
0xd0: {  	[tilespmem:s12], [sflag:$0x2] =	stream.indirect.gather [hbm4b:s3+s5], $0x40, s23, s5, $0xb8;
	[tilespmem:$0x15900] =	vst v63  }
0xd1: {  	_ = 	snop  }
0xd2: {  	[tilespmem:s15], [sflag:$0x2] =	stream.indirect.gather [hbm4b:s3+s5], $0x40, s24, s5, $0xb8;
	[tilespmem:$0x15900] =	vst v63  }
0xd3: {  	_ = 	snop  }
0xd4: {  	[tilespmem:s18], [sflag:$0x2] =	stream.indirect.gather [hbm4b:s3+s5], $0x40, s25, s5, $0xb8;
	[tilespmem:$0x15900] =	vst v63  }
0xd5: {  	_ =	swait.ge [sflag:s17], $0xA000  }
0xd6: {  	[sflag:s17] =	ssyncset.done $0x0  }
0xd7: {  	s1 =	rddreg [dreg:$0xb];
	[sflag:s17] =	ssyncadd.s32 $0xFFFF6000  }
0xd8: {  	[hbm4b:s1+s2] =	stream.linear.scatter [tilespmem:s4], [sflag:$0x3], $0xA000, $0x38;
	[tilespmem:$0x15900] =	vst v63  }
0xd9: {  	_ =	swait.ge [sflag:s16], $0xA000  }
0xda: {  	[sflag:s16] =	ssyncset.done $0x0  }
0xdb: {  	[sflag:s16] =	ssyncadd.s32 $0xFFFF6000  }
0xdc: {  	p1 =	sne.s32 s20, $0x1;
	_ =	swait.ge [sflag:s14], $0xA000  }
.Ltmp1:
0xdd: {  	[sflag:s14] =	ssyncset.done $0x0;
	(pc) =	sbr.rel @!p1 .LBB2_3-.Ltmp1, $4  }
0xde: {  	s1 =	rddreg [dreg:$0xc];
	[sflag:s14] =	ssyncadd.s32 $0xFFFF6000  }
0xdf: {  	[hbm4b:s1+s2] =	stream.linear.scatter [tilespmem:s6], [sflag:$0x4], $0xA000, $0x38;
	[tilespmem:$0x15900] =	vst v63  }
0xe0: {  	p0 =	por $0x1, $0x1;
	_ =	swait.ge [sflag:s13], $0xA000  }
0xe1: {  	s1 =	sadd.s32 $0xFFFFFFFF, s20;
	s0 =	rddreg [dreg:$0x3];
	[sflag:s13] =	ssyncset.done $0x0  }
.LBB2_4:
0xe2: {  	[sflag:s13] =	ssyncadd.s32 $0xFFFF6000  }
0xe3: {  	[tilespmem:s2], [sflag:$0x5] =	stream.linear.gather [hbm4b:s0+s2], $0x1900, $0x38;
	[tilespmem:$0x15900] =	vst v63  }
0xe4: {  	_ =	swait.ge [sflag:s31], $0x1900  }
0xe5: {  	[sflag:s31] =	ssyncset.done $0x0  }
0xe6: {  	[sflag:s31] =	ssyncadd.s32 $0xFFFFE700  }
0xe7: {  	[tilespmem:s4], [sflag:$0x1] =	stream.indirect.gather [hbm4b:s3+s5], $0x40, s2, s5, $0xb8;
	[tilespmem:$0x15900] =	vst v63  }
0xe8: {  	_ = 	snop  }
0xe9: {  	[tilespmem:s7], [sflag:$0x1] =	stream.indirect.gather [hbm4b:s3+s5], $0x40, s5, s5, $0xb8;
	[tilespmem:$0x15900] =	vst v63  }
0xea: {  	s0 =	rddreg [dreg:$0xd]  }
0xeb: {  	[tilespmem:s8], [sflag:$0x1] =	stream.indirect.gather [hbm4b:s3+s5], $0x40, s0, s5, $0xb8;
	[tilespmem:$0x15900] =	vst v63  }
0xec: {  	s20 =	rddreg [dreg:$0xe]  }
0xed: {  	[tilespmem:s9], [sflag:$0x1] =	stream.indirect.gather [hbm4b:s3+s5], $0x40, s20, s5, $0xb8;
	[tilespmem:$0x15900] =	vst v63  }
0xee: {  	s0 =	rddreg [dreg:$0xf]  }
0xef: {  	[tilespmem:s10], [sflag:$0x1] =	stream.indirect.gather [hbm4b:s3+s5], $0x40, s0, s5, $0xb8;
	[tilespmem:$0x15900] =	vst v63  }
0xf0: {  	s20 =	rddreg [dreg:$0x10]  }
0xf1: {  	[tilespmem:s6], [sflag:$0x2] =	stream.indirect.gather [hbm4b:s3+s5], $0x40, s20, s5, $0xb8;
	[tilespmem:$0x15900] =	vst v63  }
0xf2: {  	s0 =	rddreg [dreg:$0x11]  }
0xf3: {  	[tilespmem:s11], [sflag:$0x2] =	stream.indirect.gather [hbm4b:s3+s5], $0x40, s0, s5, $0xb8;
	[tilespmem:$0x15900] =	vst v63  }
0xf4: {  	s20 =	rddreg [dreg:$0x12]  }
0xf5: {  	[tilespmem:s12], [sflag:$0x2] =	stream.indirect.gather [hbm4b:s3+s5], $0x40, s20, s5, $0xb8;
	[tilespmem:$0x15900] =	vst v63  }
0xf6: {  	s0 =	rddreg [dreg:$0x13]  }
0xf7: {  	[tilespmem:s15], [sflag:$0x2] =	stream.indirect.gather [hbm4b:s3+s5], $0x40, s0, s5, $0xb8;
	[tilespmem:$0x15900] =	vst v63  }
0xf8: {  	s20 =	rddreg [dreg:$0x14]  }
0xf9: {  	[tilespmem:s18], [sflag:$0x2] =	stream.indirect.gather [hbm4b:s3+s5], $0x40, s20, s5, $0xb8;
	[tilespmem:$0x15900] =	vst v63  }
0xfa: {  	_ =	swait.ge [sflag:s17], $0xA000  }
0xfb: {  	[sflag:s17] =	ssyncset.done $0x0  }
0xfc: {  	[sflag:s17] =	ssyncadd.s32 $0xFFFF6000  }
0xfd: {  	[hbm4b:s19+s2] =	stream.linear.scatter [tilespmem:s4], [sflag:$0x3], $0xA000, $0x38;
	[tilespmem:$0x15900] =	vst v63  }
0xfe: {  	_ =	swait.ge [sflag:s16], $0xA000  }
0xff: {  	[sflag:s16] =	ssyncset.done $0x0  }
0x100: {  	[sflag:s16] =	ssyncadd.s32 $0xFFFF6000  }
0x101: {  	_ =	swait.ge [sflag:s14], $0xA000  }
0x102: {  	[sflag:s14] =	ssyncset.done $0x0  }
0x103: {  	s0 =	rddreg [dreg:$0x15];
	[sflag:s14] =	ssyncadd.s32 $0xFFFF6000  }
0x104: {  	[tilespmem:s4], [sflag:$0x1] =	stream.indirect.gather [hbm4b:s3+s5], $0x40, s0, s5, $0xb8;
	[tilespmem:$0x15900] =	vst v63  }
0x105: {  	s20 =	rddreg [dreg:$0x16]  }
0x106: {  	[tilespmem:s7], [sflag:$0x1] =	stream.indirect.gather [hbm4b:s3+s5], $0x40, s20, s5, $0xb8;
	[tilespmem:$0x15900] =	vst v63  }
0x107: {  	s0 =	rddreg [dreg:$0x17]  }
0x108: {  	[tilespmem:s8], [sflag:$0x1] =	stream.indirect.gather [hbm4b:s3+s5], $0x40, s0, s5, $0xb8;
	[tilespmem:$0x15900] =	vst v63  }
0x109: {  	s20 =	rddreg [dreg:$0x18]  }
0x10a: {  	[tilespmem:s9], [sflag:$0x1] =	stream.indirect.gather [hbm4b:s3+s5], $0x40, s20, s5, $0xb8;
	[tilespmem:$0x15900] =	vst v63  }
0x10b: {  	s0 =	rddreg [dreg:$0x19]  }
0x10c: {  	[tilespmem:s10], [sflag:$0x1] =	stream.indirect.gather [hbm4b:s3+s5], $0x40, s0, s5, $0xb8;
	[tilespmem:$0x15900] =	vst v63  }
0x10d: {  	s20 =	rddreg [dreg:$0x4]  }
0x10e: {  	[hbm4b:s20+s2] =	stream.linear.scatter [tilespmem:s6], [sflag:$0x4], $0xA000, $0x38;
	[tilespmem:$0x15900] =	vst v63  }
0x10f: {  	_ =	swait.ge [sflag:s13], $0xA000  }
0x110: {  	[sflag:s13] =	ssyncset.done $0x0  }
0x111: {  	s0 =	rddreg [dreg:$0x1a];
	[sflag:s13] =	ssyncadd.s32 $0xFFFF6000  }
0x112: {  	[tilespmem:s6], [sflag:$0x2] =	stream.indirect.gather [hbm4b:s3+s5], $0x40, s0, s5, $0xb8;
	[tilespmem:$0x15900] =	vst v63  }
0x113: {  	s20 =	rddreg [dreg:$0x1b]  }
0x114: {  	[tilespmem:s11], [sflag:$0x2] =	stream.indirect.gather [hbm4b:s3+s5], $0x40, s20, s5, $0xb8;
	[tilespmem:$0x15900] =	vst v63  }
0x115: {  	s0 =	rddreg [dreg:$0x1c]  }
0x116: {  	[tilespmem:s12], [sflag:$0x2] =	stream.indirect.gather [hbm4b:s3+s5], $0x40, s0, s5, $0xb8;
	[tilespmem:$0x15900] =	vst v63  }
0x117: {  	s20 =	rddreg [dreg:$0x1d]  }
0x118: {  	[tilespmem:s15], [sflag:$0x2] =	stream.indirect.gather [hbm4b:s3+s5], $0x40, s20, s5, $0xb8;
	[tilespmem:$0x15900] =	vst v63  }
0x119: {  	s0 =	rddreg [dreg:$0x1e]  }
0x11a: {  	[tilespmem:s18], [sflag:$0x2] =	stream.indirect.gather [hbm4b:s3+s5], $0x40, s0, s5, $0xb8;
	[tilespmem:$0x15900] =	vst v63  }
0x11b: {  	_ =	swait.ge [sflag:s17], $0xA000  }
0x11c: {  	[sflag:s17] =	ssyncset.done $0x0  }
0x11d: {  	s20 =	rddreg [dreg:$0x5];
	[sflag:s17] =	ssyncadd.s32 $0xFFFF6000  }
0x11e: {  	[hbm4b:s20+s2] =	stream.linear.scatter [tilespmem:s4], [sflag:$0x3], $0xA000, $0x38;
	[tilespmem:$0x15900] =	vst v63  }
0x11f: {  	_ =	swait.ge [sflag:s16], $0xA000  }
0x120: {  	[sflag:s16] =	ssyncset.done $0x0  }
0x121: {  	[sflag:s16] =	ssyncadd.s32 $0xFFFF6000  }
0x122: {  	_ =	swait.ge [sflag:s14], $0xA000  }
0x123: {  	s0 =	rddreg [dreg:$0x1f];
	[sflag:s14] =	ssyncset.done $0x0  }
0x124: {  	s20 =	sld [smem:$0x7EB];
	[sflag:s14] =	ssyncadd.s32 $0xFFFF6000  }
0x125: {  	[tilespmem:s4], [sflag:$0x1] =	stream.indirect.gather [hbm4b:s3+s5], $0x40, s0, s5, $0xb8;
	[tilespmem:$0x15900] =	vst v63  }
0x126: {  	s0 =	sld [smem:$0x7EC]  }
0x127: {  	[tilespmem:s7], [sflag:$0x1] =	stream.indirect.gather [hbm4b:s3+s5], $0x40, s20, s5, $0xb8;
	[tilespmem:$0x15900] =	vst v63  }
0x128: {  	s20 =	sld [smem:$0x7ED]  }
0x129: {  	[tilespmem:s8], [sflag:$0x1] =	stream.indirect.gather [hbm4b:s3+s5], $0x40, s0, s5, $0xb8;
	[tilespmem:$0x15900] =	vst v63  }
0x12a: {  	s0 =	sld [smem:$0x7EE]  }
0x12b: {  	[tilespmem:s9], [sflag:$0x1] =	stream.indirect.gather [hbm4b:s3+s5], $0x40, s20, s5, $0xb8;
	[tilespmem:$0x15900] =	vst v63  }
0x12c: {  	_ = 	snop  }
0x12d: {  	[tilespmem:s10], [sflag:$0x1] =	stream.indirect.gather [hbm4b:s3+s5], $0x40, s0, s5, $0xb8;
	[tilespmem:$0x15900] =	vst v63  }
0x12e: {  	s20 =	rddreg [dreg:$0x6]  }
0x12f: {  	[hbm4b:s20+s2] =	stream.linear.scatter [tilespmem:s6], [sflag:$0x4], $0xA000, $0x38;
	[tilespmem:$0x15900] =	vst v63  }
0x130: {  	_ =	swait.ge [sflag:s13], $0xA000  }
0x131: {  	s0 =	sld [smem:$0x7EF]  }
0x132: {  	[sflag:s13] =	ssyncset.done $0x0  }
0x133: {  	s20 =	sld [smem:$0x7F0];
	[sflag:s13] =	ssyncadd.s32 $0xFFFF6000  }
0x134: {  	[tilespmem:s6], [sflag:$0x2] =	stream.indirect.gather [hbm4b:s3+s5], $0x40, s0, s5, $0xb8;
	[tilespmem:$0x15900] =	vst v63  }
0x135: {  	s0 =	sld [smem:$0x7F1]  }
0x136: {  	[tilespmem:s11], [sflag:$0x2] =	stream.indirect.gather [hbm4b:s3+s5], $0x40, s20, s5, $0xb8;
	[tilespmem:$0x15900] =	vst v63  }
0x137: {  	s20 =	sld [smem:$0x7F2]  }
0x138: {  	[tilespmem:s12], [sflag:$0x2] =	stream.indirect.gather [hbm4b:s3+s5], $0x40, s0, s5, $0xb8;
	[tilespmem:$0x15900] =	vst v63  }
0x139: {  	s0 =	sld [smem:$0x7F3]  }
0x13a: {  	[tilespmem:s15], [sflag:$0x2] =	stream.indirect.gather [hbm4b:s3+s5], $0x40, s20, s5, $0xb8;
	[tilespmem:$0x15900] =	vst v63  }
0x13b: {  	_ = 	snop  }
0x13c: {  	[tilespmem:s18], [sflag:$0x2] =	stream.indirect.gather [hbm4b:s3+s5], $0x40, s0, s5, $0xb8;
	[tilespmem:$0x15900] =	vst v63  }
0x13d: {  	_ =	swait.ge [sflag:s17], $0xA000  }
0x13e: {  	[sflag:s17] =	ssyncset.done $0x0  }
0x13f: {  	s20 =	rddreg [dreg:$0x7];
	[sflag:s17] =	ssyncadd.s32 $0xFFFF6000  }
0x140: {  	[hbm4b:s20+s2] =	stream.linear.scatter [tilespmem:s4], [sflag:$0x3], $0xA000, $0x38;
	[tilespmem:$0x15900] =	vst v63  }
0x141: {  	_ =	swait.ge [sflag:s16], $0xA000  }
0x142: {  	[sflag:s16] =	ssyncset.done $0x0  }
0x143: {  	[sflag:s16] =	ssyncadd.s32 $0xFFFF6000  }
0x144: {  	_ =	swait.ge [sflag:s14], $0xA000  }
0x145: {  	s0 =	sld [smem:$0x7F4]  }
0x146: {  	[sflag:s14] =	ssyncset.done $0x0  }
0x147: {  	s20 =	sld [smem:$0x7F5];
	[sflag:s14] =	ssyncadd.s32 $0xFFFF6000  }
0x148: {  	[tilespmem:s4], [sflag:$0x1] =	stream.indirect.gather [hbm4b:s3+s5], $0x40, s0, s5, $0xb8;
	[tilespmem:$0x15900] =	vst v63  }
0x149: {  	s0 =	sld [smem:$0x7F6]  }
0x14a: {  	[tilespmem:s7], [sflag:$0x1] =	stream.indirect.gather [hbm4b:s3+s5], $0x40, s20, s5, $0xb8;
	[tilespmem:$0x15900] =	vst v63  }
0x14b: {  	s20 =	sld [smem:$0x7F7]  }
0x14c: {  	[tilespmem:s8], [sflag:$0x1] =	stream.indirect.gather [hbm4b:s3+s5], $0x40, s0, s5, $0xb8;
	[tilespmem:$0x15900] =	vst v63  }
0x14d: {  	s0 =	sld [smem:$0x7F8]  }
0x14e: {  	[tilespmem:s9], [sflag:$0x1] =	stream.indirect.gather [hbm4b:s3+s5], $0x40, s20, s5, $0xb8;
	[tilespmem:$0x15900] =	vst v63  }
0x14f: {  	_ = 	snop  }
0x150: {  	[tilespmem:s10], [sflag:$0x1] =	stream.indirect.gather [hbm4b:s3+s5], $0x40, s0, s5, $0xb8;
	[tilespmem:$0x15900] =	vst v63  }
0x151: {  	s20 =	rddreg [dreg:$0x8]  }
0x152: {  	[hbm4b:s20+s2] =	stream.linear.scatter [tilespmem:s6], [sflag:$0x4], $0xA000, $0x38;
	[tilespmem:$0x15900] =	vst v63  }
0x153: {  	_ =	swait.ge [sflag:s13], $0xA000  }
0x154: {  	s0 =	sld [smem:$0x7F9]  }
0x155: {  	[sflag:s13] =	ssyncset.done $0x0  }
0x156: {  	s20 =	sld [smem:$0x7FA];
	[sflag:s13] =	ssyncadd.s32 $0xFFFF6000  }
0x157: {  	[tilespmem:s6], [sflag:$0x2] =	stream.indirect.gather [hbm4b:s3+s5], $0x40, s0, s5, $0xb8;
	[tilespmem:$0x15900] =	vst v63  }
0x158: {  	s0 =	sld [smem:$0x7FB]  }
0x159: {  	[tilespmem:s11], [sflag:$0x2] =	stream.indirect.gather [hbm4b:s3+s5], $0x40, s20, s5, $0xb8;
	[tilespmem:$0x15900] =	vst v63  }
0x15a: {  	s20 =	sld [smem:$0x7FC]  }
0x15b: {  	[tilespmem:s12], [sflag:$0x2] =	stream.indirect.gather [hbm4b:s3+s5], $0x40, s0, s5, $0xb8;
	[tilespmem:$0x15900] =	vst v63  }
0x15c: {  	s0 =	sld [smem:$0x7FD]  }
0x15d: {  	[tilespmem:s15], [sflag:$0x2] =	stream.indirect.gather [hbm4b:s3+s5], $0x40, s20, s5, $0xb8;
	[tilespmem:$0x15900] =	vst v63  }
0x15e: {  	_ = 	snop  }
0x15f: {  	[tilespmem:s18], [sflag:$0x2] =	stream.indirect.gather [hbm4b:s3+s5], $0x40, s0, s5, $0xb8;
	[tilespmem:$0x15900] =	vst v63  }
0x160: {  	_ =	swait.ge [sflag:s17], $0xA000  }
0x161: {  	[sflag:s17] =	ssyncset.done $0x0  }
0x162: {  	s20 =	rddreg [dreg:$0x9];
	[sflag:s17] =	ssyncadd.s32 $0xFFFF6000  }
0x163: {  	[hbm4b:s20+s2] =	stream.linear.scatter [tilespmem:s4], [sflag:$0x3], $0xA000, $0x38;
	[tilespmem:$0x15900] =	vst v63  }
0x164: {  	_ =	swait.ge [sflag:s16], $0xA000  }
0x165: {  	[sflag:s16] =	ssyncset.done $0x0  }
0x166: {  	[sflag:s16] =	ssyncadd.s32 $0xFFFF6000  }
0x167: {  	_ =	swait.ge [sflag:s14], $0xA000  }
0x168: {  	[sflag:s14] =	ssyncset.done $0x0  }
0x169: {  	s20 =	simm.s32 $0x1400;
	[sflag:s14] =	ssyncadd.s32 $0xFFFF6000  }
0x16a: {  	[tilespmem:s4], [sflag:$0x1] =	stream.indirect.gather [hbm4b:s3+s5], $0x40, s20, s5, $0xb8;
	[tilespmem:$0x15900] =	vst v63  }
0x16b: {  	_ = 	snop  }
0x16c: {  	[tilespmem:s7], [sflag:$0x1] =	stream.indirect.gather [hbm4b:s3+s5], $0x40, s28, s5, $0xb8;
	[tilespmem:$0x15900] =	vst v63  }
0x16d: {  	_ = 	snop  }
0x16e: {  	[tilespmem:s8], [sflag:$0x1] =	stream.indirect.gather [hbm4b:s3+s5], $0x40, s29, s5, $0xb8;
	[tilespmem:$0x15900] =	vst v63  }
0x16f: {  	_ = 	snop  }
0x170: {  	[tilespmem:s9], [sflag:$0x1] =	stream.indirect.gather [hbm4b:s3+s5], $0x40, s30, s5, $0xb8;
	[tilespmem:$0x15900] =	vst v63  }
0x171: {  	_ = 	snop  }
0x172: {  	[tilespmem:s10], [sflag:$0x1] =	stream.indirect.gather [hbm4b:s3+s5], $0x40, s26, s5, $0xb8;
	[tilespmem:$0x15900] =	vst v63  }
0x173: {  	s20 =	rddreg [dreg:$0xa]  }
0x174: {  	[hbm4b:s20+s2] =	stream.linear.scatter [tilespmem:s6], [sflag:$0x4], $0xA000, $0x38;
	[tilespmem:$0x15900] =	vst v63  }
0x175: {  	_ =	swait.ge [sflag:s13], $0xA000  }
0x176: {  	[sflag:s13] =	ssyncset.done $0x0  }
0x177: {  	[sflag:s13] =	ssyncadd.s32 $0xFFFF6000  }
0x178: {  	[tilespmem:s6], [sflag:$0x2] =	stream.indirect.gather [hbm4b:s3+s5], $0x40, s21, s5, $0xb8;
	[tilespmem:$0x15900] =	vst v63  }
0x179: {  	_ = 	snop  }
0x17a: {  	[tilespmem:s11], [sflag:$0x2] =	stream.indirect.gather [hbm4b:s3+s5], $0x40, s22, s5, $0xb8;
	[tilespmem:$0x15900] =	vst v63  }
0x17b: {  	_ = 	snop  }
0x17c: {  	[tilespmem:s12], [sflag:$0x2] =	stream.indirect.gather [hbm4b:s3+s5], $0x40, s23, s5, $0xb8;
	[tilespmem:$0x15900] =	vst v63  }
0x17d: {  	_ = 	snop  }
0x17e: {  	[tilespmem:s15], [sflag:$0x2] =	stream.indirect.gather [hbm4b:s3+s5], $0x40, s24, s5, $0xb8;
	[tilespmem:$0x15900] =	vst v63  }
0x17f: {  	_ = 	snop  }
0x180: {  	[tilespmem:s18], [sflag:$0x2] =	stream.indirect.gather [hbm4b:s3+s5], $0x40, s25, s5, $0xb8;
	[tilespmem:$0x15900] =	vst v63  }
0x181: {  	_ =	swait.ge [sflag:s17], $0xA000  }
0x182: {  	[sflag:s17] =	ssyncset.done $0x0  }
0x183: {  	s20 =	rddreg [dreg:$0xb];
	[sflag:s17] =	ssyncadd.s32 $0xFFFF6000  }
0x184: {  	[hbm4b:s20+s2] =	stream.linear.scatter [tilespmem:s4], [sflag:$0x3], $0xA000, $0x38;
	[tilespmem:$0x15900] =	vst v63  }
0x185: {  	_ =	swait.ge [sflag:s16], $0xA000  }
0x186: {  	[sflag:s16] =	ssyncset.done $0x0  }
0x187: {  	[sflag:s16] =	ssyncadd.s32 $0xFFFF6000  }
0x188: {  	p1 =	sne.s32 s1, $0x1;
	_ =	swait.ge [sflag:s14], $0xA000  }
.Ltmp2:
0x189: {  	[sflag:s14] =	ssyncset.done $0x0;
	(pc) =	sbr.rel @p1 .LBB2_4-.Ltmp2, $4  }
0x18a: {  	s20 =	rddreg [dreg:$0xc];
	[sflag:s14] =	ssyncadd.s32 $0xFFFF6000  }
0x18b: {  	[hbm4b:s20+s2] =	stream.linear.scatter [tilespmem:s6], [sflag:$0x4], $0xA000, $0x38;
	[tilespmem:$0x15900] =	vst v63  }
0x18c: {  	_ =	swait.ge [sflag:s13], $0xA000  }
0x18d: {  	s1 =	sadd.s32 $0xFFFFFFFF, s1;
	s0 =	rddreg [dreg:$0x3];
	[sflag:s13] =	ssyncset.done $0x0  }
0x18e: {  	s25 =	simm.s32 $0x1600  }
0x18f: {  	s30 =	simm.s32 $0x1580;
	s29 =	simm.s32 $0x1500;
	s28 =	simm.s32 $0x1480  }
0x190: {  	s26 =	simm.s32 $0x1400;
	s24 =	simm.s32 $0x1800;
	s23 =	simm.s32 $0x1780  }
0x191: {  	s22 =	simm.s32 $0x1700;
	s21 =	simm.s32 $0x1680;
	s20 =	stileid.u32  }
.LBB2_6:
0x192: {  	[sflag:s13] =	ssyncadd.s32 @p0 $0xFFFF6000  }
0x193: {  	[tilespmem:s2], [sflag:$0x5] =	stream.linear.gather [hbm4b:s0+s2], $0x1900, $0x38;
	[tilespmem:$0x15900] =	vst v63  }
0x194: {  	_ =	swait.ge [sflag:s31], $0x1900  }
0x195: {  	[sflag:s31] =	ssyncset.done $0x0  }
0x196: {  	[sflag:s31] =	ssyncadd.s32 $0xFFFFE700  }
0x197: {  	[tilespmem:s4], [sflag:$0x1] =	stream.indirect.gather [hbm4b:s3+s5], $0x40, s2, s5, $0xb8;
	[tilespmem:$0x15900] =	vst v63  }
0x198: {  	_ = 	snop  }
0x199: {  	[tilespmem:s7], [sflag:$0x1] =	stream.indirect.gather [hbm4b:s3+s5], $0x40, s5, s5, $0xb8;
	[tilespmem:$0x15900] =	vst v63  }
0x19a: {  	s31 =	rddreg [dreg:$0xd]  }
0x19b: {  	[tilespmem:s8], [sflag:$0x1] =	stream.indirect.gather [hbm4b:s3+s5], $0x40, s31, s5, $0xb8;
	[tilespmem:$0x15900] =	vst v63  }
0x19c: {  	s1 =	rddreg [dreg:$0xe]  }
0x19d: {  	[tilespmem:s9], [sflag:$0x1] =	stream.indirect.gather [hbm4b:s3+s5], $0x40, s1, s5, $0xb8;
	[tilespmem:$0x15900] =	vst v63  }
0x19e: {  	s0 =	rddreg [dreg:$0xf]  }
0x19f: {  	[tilespmem:s10], [sflag:$0x1] =	stream.indirect.gather [hbm4b:s3+s5], $0x40, s0, s5, $0xb8;
	[tilespmem:$0x15900] =	vst v63  }
0x1a0: {  	s31 =	rddreg [dreg:$0x10]  }
0x1a1: {  	[tilespmem:s6], [sflag:$0x2] =	stream.indirect.gather [hbm4b:s3+s5], $0x40, s31, s5, $0xb8;
	[tilespmem:$0x15900] =	vst v63  }
0x1a2: {  	s0 =	rddreg [dreg:$0x11]  }
0x1a3: {  	[tilespmem:s11], [sflag:$0x2] =	stream.indirect.gather [hbm4b:s3+s5], $0x40, s0, s5, $0xb8;
	[tilespmem:$0x15900] =	vst v63  }
0x1a4: {  	s31 =	rddreg [dreg:$0x12]  }
0x1a5: {  	[tilespmem:s12], [sflag:$0x2] =	stream.indirect.gather [hbm4b:s3+s5], $0x40, s31, s5, $0xb8;
	[tilespmem:$0x15900] =	vst v63  }
0x1a6: {  	s0 =	rddreg [dreg:$0x13]  }
0x1a7: {  	[tilespmem:s15], [sflag:$0x2] =	stream.indirect.gather [hbm4b:s3+s5], $0x40, s0, s5, $0xb8;
	[tilespmem:$0x15900] =	vst v63  }
0x1a8: {  	s31 =	rddreg [dreg:$0x14]  }
0x1a9: {  	[tilespmem:s18], [sflag:$0x2] =	stream.indirect.gather [hbm4b:s3+s5], $0x40, s31, s5, $0xb8;
	[tilespmem:$0x15900] =	vst v63  }
0x1aa: {  	_ =	swait.ge [sflag:s17], $0xA000  }
0x1ab: {  	[sflag:s17] =	ssyncset.done $0x0  }
0x1ac: {  	[sflag:s17] =	ssyncadd.s32 $0xFFFF6000  }
0x1ad: {  	[hbm4b:s19+s2] =	stream.linear.scatter [tilespmem:s4], [sflag:$0x3], $0xA000, $0x38;
	[tilespmem:$0x15900] =	vst v63  }
0x1ae: {  	_ =	swait.ge [sflag:s16], $0xA000  }
0x1af: {  	[sflag:s16] =	ssyncset.done $0x0  }
0x1b0: {  	[sflag:s16] =	ssyncadd.s32 $0xFFFF6000  }
0x1b1: {  	_ =	swait.ge [sflag:s14], $0xA000  }
0x1b2: {  	[sflag:s14] =	ssyncset.done $0x0  }
0x1b3: {  	s19 =	rddreg [dreg:$0x15];
	[sflag:s14] =	ssyncadd.s32 $0xFFFF6000  }
0x1b4: {  	[tilespmem:s4], [sflag:$0x1] =	stream.indirect.gather [hbm4b:s3+s5], $0x40, s19, s5, $0xb8;
	[tilespmem:$0x15900] =	vst v63  }
0x1b5: {  	s31 =	rddreg [dreg:$0x16]  }
0x1b6: {  	[tilespmem:s7], [sflag:$0x1] =	stream.indirect.gather [hbm4b:s3+s5], $0x40, s31, s5, $0xb8;
	[tilespmem:$0x15900] =	vst v63  }
0x1b7: {  	s19 =	rddreg [dreg:$0x17]  }
0x1b8: {  	[tilespmem:s8], [sflag:$0x1] =	stream.indirect.gather [hbm4b:s3+s5], $0x40, s19, s5, $0xb8;
	[tilespmem:$0x15900] =	vst v63  }
0x1b9: {  	s31 =	rddreg [dreg:$0x18]  }
0x1ba: {  	[tilespmem:s9], [sflag:$0x1] =	stream.indirect.gather [hbm4b:s3+s5], $0x40, s31, s5, $0xb8;
	[tilespmem:$0x15900] =	vst v63  }
0x1bb: {  	s19 =	rddreg [dreg:$0x19]  }
0x1bc: {  	[tilespmem:s10], [sflag:$0x1] =	stream.indirect.gather [hbm4b:s3+s5], $0x40, s19, s5, $0xb8;
	[tilespmem:$0x15900] =	vst v63  }
0x1bd: {  	s31 =	rddreg [dreg:$0x4]  }
0x1be: {  	[hbm4b:s31+s2] =	stream.linear.scatter [tilespmem:s6], [sflag:$0x4], $0xA000, $0x38;
	[tilespmem:$0x15900] =	vst v63  }
0x1bf: {  	_ =	swait.ge [sflag:s13], $0xA000  }
0x1c0: {  	[sflag:s13] =	ssyncset.done $0x0  }
0x1c1: {  	s1 =	rddreg [dreg:$0x1a];
	[sflag:s13] =	ssyncadd.s32 $0xFFFF6000  }
0x1c2: {  	[tilespmem:s6], [sflag:$0x2] =	stream.indirect.gather [hbm4b:s3+s5], $0x40, s1, s5, $0xb8;
	[tilespmem:$0x15900] =	vst v63  }
0x1c3: {  	s19 =	rddreg [dreg:$0x1b]  }
0x1c4: {  	[tilespmem:s11], [sflag:$0x2] =	stream.indirect.gather [hbm4b:s3+s5], $0x40, s19, s5, $0xb8;
	[tilespmem:$0x15900] =	vst v63  }
0x1c5: {  	s31 =	rddreg [dreg:$0x1c]  }
0x1c6: {  	[tilespmem:s12], [sflag:$0x2] =	stream.indirect.gather [hbm4b:s3+s5], $0x40, s31, s5, $0xb8;
	[tilespmem:$0x15900] =	vst v63  }
0x1c7: {  	s19 =	rddreg [dreg:$0x1d]  }
0x1c8: {  	[tilespmem:s15], [sflag:$0x2] =	stream.indirect.gather [hbm4b:s3+s5], $0x40, s19, s5, $0xb8;
	[tilespmem:$0x15900] =	vst v63  }
0x1c9: {  	s31 =	rddreg [dreg:$0x1e]  }
0x1ca: {  	[tilespmem:s18], [sflag:$0x2] =	stream.indirect.gather [hbm4b:s3+s5], $0x40, s31, s5, $0xb8;
	[tilespmem:$0x15900] =	vst v63  }
0x1cb: {  	_ =	swait.ge [sflag:s17], $0xA000  }
0x1cc: {  	[sflag:s17] =	ssyncset.done $0x0  }
0x1cd: {  	s1 =	rddreg [dreg:$0x5];
	[sflag:s17] =	ssyncadd.s32 $0xFFFF6000  }
0x1ce: {  	[hbm4b:s1+s2] =	stream.linear.scatter [tilespmem:s4], [sflag:$0x3], $0xA000, $0x38;
	[tilespmem:$0x15900] =	vst v63  }
0x1cf: {  	_ =	swait.ge [sflag:s16], $0xA000  }
0x1d0: {  	[sflag:s16] =	ssyncset.done $0x0  }
0x1d1: {  	[sflag:s16] =	ssyncadd.s32 $0xFFFF6000  }
0x1d2: {  	_ =	swait.ge [sflag:s14], $0xA000  }
0x1d3: {  	s19 =	rddreg [dreg:$0x1f];
	[sflag:s14] =	ssyncset.done $0x0  }
0x1d4: {  	s31 =	sld [smem:$0x7EB];
	[sflag:s14] =	ssyncadd.s32 $0xFFFF6000  }
0x1d5: {  	[tilespmem:s4], [sflag:$0x1] =	stream.indirect.gather [hbm4b:s3+s5], $0x40, s19, s5, $0xb8;
	[tilespmem:$0x15900] =	vst v63  }
0x1d6: {  	s19 =	sld [smem:$0x7EC]  }
0x1d7: {  	[tilespmem:s7], [sflag:$0x1] =	stream.indirect.gather [hbm4b:s3+s5], $0x40, s31, s5, $0xb8;
	[tilespmem:$0x15900] =	vst v63  }
0x1d8: {  	s31 =	sld [smem:$0x7ED]  }
0x1d9: {  	[tilespmem:s8], [sflag:$0x1] =	stream.indirect.gather [hbm4b:s3+s5], $0x40, s19, s5, $0xb8;
	[tilespmem:$0x15900] =	vst v63  }
0x1da: {  	s19 =	sld [smem:$0x7EE]  }
0x1db: {  	[tilespmem:s9], [sflag:$0x1] =	stream.indirect.gather [hbm4b:s3+s5], $0x40, s31, s5, $0xb8;
	[tilespmem:$0x15900] =	vst v63  }
0x1dc: {  	_ = 	snop  }
0x1dd: {  	[tilespmem:s10], [sflag:$0x1] =	stream.indirect.gather [hbm4b:s3+s5], $0x40, s19, s5, $0xb8;
	[tilespmem:$0x15900] =	vst v63  }
0x1de: {  	s31 =	rddreg [dreg:$0x6]  }
0x1df: {  	[hbm4b:s31+s2] =	stream.linear.scatter [tilespmem:s6], [sflag:$0x4], $0xA000, $0x38;
	[tilespmem:$0x15900] =	vst v63  }
0x1e0: {  	_ =	swait.ge [sflag:s13], $0xA000  }
0x1e1: {  	s1 =	sld [smem:$0x7EF]  }
0x1e2: {  	[sflag:s13] =	ssyncset.done $0x0  }
0x1e3: {  	s19 =	sld [smem:$0x7F0];
	[sflag:s13] =	ssyncadd.s32 $0xFFFF6000  }
0x1e4: {  	[tilespmem:s6], [sflag:$0x2] =	stream.indirect.gather [hbm4b:s3+s5], $0x40, s1, s5, $0xb8;
	[tilespmem:$0x15900] =	vst v63  }
0x1e5: {  	s31 =	sld [smem:$0x7F1]  }
0x1e6: {  	[tilespmem:s11], [sflag:$0x2] =	stream.indirect.gather [hbm4b:s3+s5], $0x40, s19, s5, $0xb8;
	[tilespmem:$0x15900] =	vst v63  }
0x1e7: {  	s19 =	sld [smem:$0x7F2]  }
0x1e8: {  	[tilespmem:s12], [sflag:$0x2] =	stream.indirect.gather [hbm4b:s3+s5], $0x40, s31, s5, $0xb8;
	[tilespmem:$0x15900] =	vst v63  }
0x1e9: {  	s31 =	sld [smem:$0x7F3]  }
0x1ea: {  	[tilespmem:s15], [sflag:$0x2] =	stream.indirect.gather [hbm4b:s3+s5], $0x40, s19, s5, $0xb8;
	[tilespmem:$0x15900] =	vst v63  }
0x1eb: {  	_ = 	snop  }
0x1ec: {  	[tilespmem:s18], [sflag:$0x2] =	stream.indirect.gather [hbm4b:s3+s5], $0x40, s31, s5, $0xb8;
	[tilespmem:$0x15900] =	vst v63  }
0x1ed: {  	_ =	swait.ge [sflag:s17], $0xA000  }
0x1ee: {  	[sflag:s17] =	ssyncset.done $0x0  }
0x1ef: {  	s1 =	rddreg [dreg:$0x7];
	[sflag:s17] =	ssyncadd.s32 $0xFFFF6000  }
0x1f0: {  	[hbm4b:s1+s2] =	stream.linear.scatter [tilespmem:s4], [sflag:$0x3], $0xA000, $0x38;
	[tilespmem:$0x15900] =	vst v63  }
0x1f1: {  	_ =	swait.ge [sflag:s16], $0xA000  }
0x1f2: {  	[sflag:s16] =	ssyncset.done $0x0  }
0x1f3: {  	[sflag:s16] =	ssyncadd.s32 $0xFFFF6000  }
0x1f4: {  	_ =	swait.ge [sflag:s14], $0xA000  }
0x1f5: {  	s19 =	sld [smem:$0x7F4]  }
0x1f6: {  	[sflag:s14] =	ssyncset.done $0x0  }
0x1f7: {  	s31 =	sld [smem:$0x7F5];
	[sflag:s14] =	ssyncadd.s32 $0xFFFF6000  }
0x1f8: {  	[tilespmem:s4], [sflag:$0x1] =	stream.indirect.gather [hbm4b:s3+s5], $0x40, s19, s5, $0xb8;
	[tilespmem:$0x15900] =	vst v63  }
0x1f9: {  	s19 =	sld [smem:$0x7F6]  }
0x1fa: {  	[tilespmem:s7], [sflag:$0x1] =	stream.indirect.gather [hbm4b:s3+s5], $0x40, s31, s5, $0xb8;
	[tilespmem:$0x15900] =	vst v63  }
0x1fb: {  	s31 =	sld [smem:$0x7F7]  }
0x1fc: {  	[tilespmem:s8], [sflag:$0x1] =	stream.indirect.gather [hbm4b:s3+s5], $0x40, s19, s5, $0xb8;
	[tilespmem:$0x15900] =	vst v63  }
0x1fd: {  	s19 =	sld [smem:$0x7F8]  }
0x1fe: {  	[tilespmem:s9], [sflag:$0x1] =	stream.indirect.gather [hbm4b:s3+s5], $0x40, s31, s5, $0xb8;
	[tilespmem:$0x15900] =	vst v63  }
0x1ff: {  	_ = 	snop  }
0x200: {  	[tilespmem:s10], [sflag:$0x1] =	stream.indirect.gather [hbm4b:s3+s5], $0x40, s19, s5, $0xb8;
	[tilespmem:$0x15900] =	vst v63  }
0x201: {  	s31 =	rddreg [dreg:$0x8]  }
0x202: {  	[hbm4b:s31+s2] =	stream.linear.scatter [tilespmem:s6], [sflag:$0x4], $0xA000, $0x38;
	[tilespmem:$0x15900] =	vst v63  }
0x203: {  	_ =	swait.ge [sflag:s13], $0xA000  }
0x204: {  	s1 =	sld [smem:$0x7F9]  }
0x205: {  	[sflag:s13] =	ssyncset.done $0x0  }
0x206: {  	s19 =	sld [smem:$0x7FA];
	[sflag:s13] =	ssyncadd.s32 $0xFFFF6000  }
0x207: {  	[tilespmem:s6], [sflag:$0x2] =	stream.indirect.gather [hbm4b:s3+s5], $0x40, s1, s5, $0xb8;
	[tilespmem:$0x15900] =	vst v63  }
0x208: {  	s31 =	sld [smem:$0x7FB]  }
0x209: {  	[tilespmem:s11], [sflag:$0x2] =	stream.indirect.gather [hbm4b:s3+s5], $0x40, s19, s5, $0xb8;
	[tilespmem:$0x15900] =	vst v63  }
0x20a: {  	s19 =	sld [smem:$0x7FC]  }
0x20b: {  	[tilespmem:s12], [sflag:$0x2] =	stream.indirect.gather [hbm4b:s3+s5], $0x40, s31, s5, $0xb8;
	[tilespmem:$0x15900] =	vst v63  }
0x20c: {  	s31 =	sld [smem:$0x7FD]  }
0x20d: {  	[tilespmem:s15], [sflag:$0x2] =	stream.indirect.gather [hbm4b:s3+s5], $0x40, s19, s5, $0xb8;
	[tilespmem:$0x15900] =	vst v63  }
0x20e: {  	_ = 	snop  }
0x20f: {  	[tilespmem:s18], [sflag:$0x2] =	stream.indirect.gather [hbm4b:s3+s5], $0x40, s31, s5, $0xb8;
	[tilespmem:$0x15900] =	vst v63  }
0x210: {  	_ =	swait.ge [sflag:s17], $0xA000  }
0x211: {  	[sflag:s17] =	ssyncset.done $0x0  }
0x212: {  	s19 =	rddreg [dreg:$0x9];
	[sflag:s17] =	ssyncadd.s32 $0xFFFF6000  }
0x213: {  	[hbm4b:s19+s2] =	stream.linear.scatter [tilespmem:s4], [sflag:$0x3], $0xA000, $0x38;
	[tilespmem:$0x15900] =	vst v63  }
0x214: {  	_ =	swait.ge [sflag:s16], $0xA000  }
0x215: {  	[sflag:s16] =	ssyncset.done $0x0  }
0x216: {  	[sflag:s16] =	ssyncadd.s32 $0xFFFF6000  }
0x217: {  	_ =	swait.ge [sflag:s14], $0xA000  }
0x218: {  	[sflag:s14] =	ssyncset.done $0x0  }
0x219: {  	[sflag:s14] =	ssyncadd.s32 $0xFFFF6000  }
0x21a: {  	[tilespmem:s4], [sflag:$0x1] =	stream.indirect.gather [hbm4b:s3+s5], $0x40, s26, s5, $0xb8;
	[tilespmem:$0x15900] =	vst v63  }
0x21b: {  	_ = 	snop  }
0x21c: {  	[tilespmem:s7], [sflag:$0x1] =	stream.indirect.gather [hbm4b:s3+s5], $0x40, s28, s5, $0xb8;
	[tilespmem:$0x15900] =	vst v63  }
0x21d: {  	_ = 	snop  }
0x21e: {  	[tilespmem:s8], [sflag:$0x1] =	stream.indirect.gather [hbm4b:s3+s5], $0x40, s29, s5, $0xb8;
	[tilespmem:$0x15900] =	vst v63  }
0x21f: {  	_ = 	snop  }
0x220: {  	[tilespmem:s9], [sflag:$0x1] =	stream.indirect.gather [hbm4b:s3+s5], $0x40, s30, s5, $0xb8;
	[tilespmem:$0x15900] =	vst v63  }
0x221: {  	_ = 	snop  }
0x222: {  	[tilespmem:s10], [sflag:$0x1] =	stream.indirect.gather [hbm4b:s3+s5], $0x40, s25, s5, $0xb8;
	[tilespmem:$0x15900] =	vst v63  }
0x223: {  	s28 =	rddreg [dreg:$0xa]  }
0x224: {  	[hbm4b:s28+s2] =	stream.linear.scatter [tilespmem:s6], [sflag:$0x4], $0xA000, $0x38;
	[tilespmem:$0x15900] =	vst v63  }
0x225: {  	_ =	swait.ge [sflag:s13], $0xA000  }
0x226: {  	[sflag:s13] =	ssyncset.done $0x0  }
0x227: {  	[sflag:s13] =	ssyncadd.s32 $0xFFFF6000  }
0x228: {  	[tilespmem:s6], [sflag:$0x2] =	stream.indirect.gather [hbm4b:s3+s5], $0x40, s21, s5, $0xb8;
	[tilespmem:$0x15900] =	vst v63  }
0x229: {  	_ = 	snop  }
0x22a: {  	[tilespmem:s11], [sflag:$0x2] =	stream.indirect.gather [hbm4b:s3+s5], $0x40, s22, s5, $0xb8;
	[tilespmem:$0x15900] =	vst v63  }
0x22b: {  	_ = 	snop  }
0x22c: {  	[tilespmem:s12], [sflag:$0x2] =	stream.indirect.gather [hbm4b:s3+s5], $0x40, s23, s5, $0xb8;
	[tilespmem:$0x15900] =	vst v63  }
0x22d: {  	_ = 	snop  }
0x22e: {  	[tilespmem:s15], [sflag:$0x2] =	stream.indirect.gather [hbm4b:s3+s5], $0x40, s24, s5, $0xb8;
	[tilespmem:$0x15900] =	vst v63  }
0x22f: {  	s29 =	simm.s32 $0x1880  }
0x230: {  	[tilespmem:s18], [sflag:$0x2] =	stream.indirect.gather [hbm4b:s3+s5], $0x40, s29, s5, $0xb8;
	[tilespmem:$0x15900] =	vst v63  }
0x231: {  	_ =	swait.ge [sflag:s17], $0xA000  }
0x232: {  	[sflag:s17] =	ssyncset.done $0x0  }
0x233: {  	s30 =	rddreg [dreg:$0xb];
	[sflag:s17] =	ssyncadd.s32 $0xFFFF6000  }
0x234: {  	[hbm4b:s30+s2] =	stream.linear.scatter [tilespmem:s4], [sflag:$0x3], $0xA000, $0x38;
	[tilespmem:$0x15900] =	vst v63  }
0x235: {  	_ =	swait.ge [sflag:s16], $0xA000  }
0x236: {  	[sflag:s16] =	ssyncset.done $0x0  }
0x237: {  	[sflag:s16] =	ssyncadd.s32 $0xFFFF6000  }
0x238: {  	_ =	swait.ge [sflag:s14], $0xA000  }
0x239: {  	[sflag:s14] =	ssyncset.done $0x0  }
0x23a: {  	s31 =	rddreg [dreg:$0xc];
	[sflag:s14] =	ssyncadd.s32 $0xFFFF6000  }
0x23b: {  	[hbm4b:s31+s2] =	stream.linear.scatter [tilespmem:s6], [sflag:$0x4], $0xA000, $0x38;
	[tilespmem:$0x15900] =	vst v63  }
0x23c: {  	_ =	swait.ge [sflag:s13], $0xA000  }
0x23d: {  	[sflag:s13] =	ssyncset.done $0x0  }
0x23e: {  	[sflag:s13] =	ssyncadd.s32 $0xFFFF6000  }
0x23f: {  	_ =	sfence.sel $0x180000  }
0x240: {  	[bflag:$0x0] =	sbarrier.arrive $0xFFFF  }
0x241: {  	_ =	strace $0x90000047  }
0x242: {  	[bflag:$0x2] =	sbarrier.arrive $0xFFFF  }
0x243: {  	p0 =	sne.s32 s20, $0x0;
	s0 =	rddreg [dreg:$0x2]  }
0x244: {  	s0 =	sadd.s32 @!p0 $0x100000, s0  }
0x245: {  	[sflag:s0] =	ssyncadd.tile.s32 @!p0 $0x1;
	_ =	shalt  }
.LBB2_1:
.Ltmp3:
0x246: {  	(pc) =	sbr.rel .LBB2_6-.Ltmp3, $4  }
0x247: {  	_ = 	snop  }
0x248: {  	s25 =	simm.s32 $0x1600;
	s30 =	simm.s32 $0x1580;
	s29 =	simm.s32 $0x1500  }
0x249: {  	s28 =	simm.s32 $0x1480;
	s26 =	simm.s32 $0x1400;
	s24 =	simm.s32 $0x1800  }
0x24a: {  	s23 =	simm.s32 $0x1780;
	s22 =	simm.s32 $0x1700;
	s21 =	simm.s32 $0x1680  }
.LBB2_3:
.Ltmp4:
0x24b: {  	(pc) =	sbr.rel .LBB2_6-.Ltmp4, $4  }
0x24c: {  	s25 =	simm.s32 $0x1600  }
0x24d: {  	s30 =	simm.s32 $0x1580;
	s29 =	simm.s32 $0x1500;
	s28 =	simm.s32 $0x1480  }
0x24e: {  	s26 =	simm.s32 $0x1400;
	s24 =	simm.s32 $0x1800;
	s23 =	simm.s32 $0x1780  }
0x24f: {  	s22 =	simm.s32 $0x1700;
	s21 =	simm.s32 $0x1680;
	s20 =	stileid.u32  }
.Lfunc_end2:
_tile_overlayer_lowered:
.L_overlay_start_2:
0x250: {  	(tag) =	ssettag $0x2  }
0x251: {  	s0 =	rddreg [dreg:$0x0];
	s2 =	stileid.u32  }
0x252: {  	s1 =	rddreg [dreg:$0x1];
	p0 =	sne.s32 s2, $0x0  }
0x253: {  	s3 =	rddreg [dreg:$0x2];
	[bflag:$0x3] =	sbarrier.arrive $0xFFFF;
	s2 =	simm.s32 @!p0 $0x1C05  }
0x254: {  	[timem:s3], [sflag:s2] =	dma.local @!p0 [hbm:s0], s1  }
0x255: {  	s0 =	simm.s32 @!p0 $0x5  }
0x256: {  	_ =	swait.ge @!p0 [sflag:s0], s1  }
0x257: {  	s1 =	ssub.s32 @!p0 $0x0, s1;
	[sflag:s0] =	ssyncset.done @!p0 $0x0  }
0x258: {  	[sflag:s0] =	ssyncadd.s32 @!p0 s1  }
0x259: {  	[bflag:$0x3] =	sbarrier.arrive $0xFFFF  }
0x25a: {  	_ =	shalt  }

// kernel: sparse-core-data-format-call.cloned.1.call-start
scs
called_computation_lowered:
.L_overlay_start_0:
0x0: {  	s2 =	sld [smem:$0x3FD9]  }
0x1: {  	s3 =	sld [smem:$0x3FFE];
	_ =	sdelay $0x1  }
0x2: {  	s1 =	srdreg.scid  }
0x3: {  	s0 =	sand.u32 $0x1, s1  }
0x4: {  	s18 =	sshll.u32 s0, $0xA;
	s2 =	sadd.s32 s3, s2  }
0x5: {  	s2 =	sadd.s32 s2, s18  }
0x6: {  	[smem:$0x3FC6] =	sst s2  }
0x7: {  	_ = 	snop  }
0x8: {  	s2 =	sld [smem:$0x3FD0];
	(tm) =	ssettm $0x1  }
0x9: {  	s19 =	sld [smem:$0x3FFB];
	_ =	sdelay $0x3  }
0xa: {  	_ =	strace s19  }
0xb: {  	s3 =	sld [smem:$0x3FFC];
	_ =	sdelay $0x3  }
0xc: {  	_ =	strace s3  }
0xd: {  	s3 =	sld [smem:$0x3FFD];
	_ =	sdelay $0x3  }
0xe: {  	_ =	strace s3  }
0xf: {  	_ =	strace $0x8FFFFFFF  }
0x10: {  	s20 =	sld [smem:$0x3FDB];
	_ =	sdelay $0x1  }
0x11: {  	s4 =	simm.s32 $_scs_section_size  }
0x12: {  	s5 =	simm.s32 $_size__tile_overlayer_lowered;
	s6 =	simm.s32 $_tile_overlayer_lowered  }
0x13: {  	s23 =	simm.s32 $0x1BFF;
	s22 =	sshll.u32 s6, $0x1;
	s3 =	sadd.s32 s4, s20  }
0x14: {  	s7 =	simm.s32 $0x0;
	s21 =	sshll.u32 s5, $0x1;
	s5 =	sadd.s32 s22, s3  }
0x15: {  	[timem:s7], [sflag:s23] =	dma.local [hbm:s5], s21  }
0x16: {  	_ =	swait.ge [sflag:s23], s21  }
0x17: {  	s4 =	ssub.s32 $0x0, s21;
	[sflag:s23] =	ssyncset.done $0x0  }
0x18: {  	[sflag:s23] =	ssyncadd.s32 s4;
	_ =	sdelay $0x1  }
0x19: {  	s24 =	simm.s32 $0x1B8B  }
0x1a: {  	_ =	swait.ge [sflag:s24], $0x1  }
0x1b: {  	[sflag:s24] =	ssyncset.done $0x0  }
0x1c: {  	s26 =	simm.s32 $0x1B8E;
	s25 =	sld [smem:$0x3FFE];
	[sflag:s24] =	ssyncadd.s32 $0xFFFFFFFF  }
0x1d: {  	s27 =	simm.s32 $execute0_lowered;
	[smem:$0x3FD2] =	sst s26  }
0x1e: {  	s5 =	sshll.u32 s27, $0x1;
	_ =	strace $0x80000049;
	[dreg:$0x1] =	wrdreg $0xFFFFFFFF  }
0x1f: {  	s28 =	simm.s32 $_size_execute0_lowered;
	s3 =	sadd.s32 s3, s5;
	[dreg:$0x0] =	wrdreg $0x0  }
0x20: {  	s5 =	sshll.u32 s28, $0x1;
	[dreg:$0x2] =	wrdreg s3  }
0x21: {  	[dreg:$0x3] =	wrdreg s5  }
0x22: {  	[dreg:$0x4] =	wrdreg $0xC0  }
0x23: {  	_ =	task [dreg:s7], $0x5FFFF  }
0x24: {  	[dreg:$0x1] =	wrdreg $0xFFFFFFFF  }
0x25: {  	[dreg:$0x0] =	wrdreg $0x60  }
0x26: {  	[dreg:$0x2] =	wrdreg s25  }
0x27: {  	[dreg:$0x3] =	wrdreg s2  }
0x28: {  	[dreg:$0x4] =	wrdreg $0x9  }
0x29: {  	_ =	task.clear_ibuf [dreg:s7], $0x5FFFF;
	_ =	strace $0x90000049  }
0x2a: {  	s29 =	simm.s32 $0x9;
	_ =	strace $0x8000004B  }
0x2b: {  	_ =	swait.ge [sflag:s29], $0x1  }
0x2c: {  	[sflag:s29] =	ssyncadd.s32 $0xFFFFFFFF  }
0x2d: {  	_ =	strace $0x9000004B  }
0x2e: {  	_ =	sfence  }
0x2f: {  	s30 =	sld [smem:$0x0];
	_ =	sdelay $0x2  }
0x30: {  	s31 =	sshll.u32 s1, $0xD;
	s1 =	sshrl.u32 s1, $0x2  }
0x31: {  	s3 =	sand.u32 $0x4000, s31;
	s1 =	sadd.s32 s1, s30  }
0x32: {  	s0 =	sor.u32 s3, s0;
	s1 =	sshll.u32 s1, $0x11  }
0x33: {  	s0 =	sor.u32 s1, s0  }
0x34: {  	s0 =	sadd.s32 $0x8F2B, s0  }
0x35: {  	[sflag:s0] =	ssyncadd.remote.s32 $0x1  }
0x36: {  	_ =	sfence.sel $0xFFFF  }
0x37: {  	[dreg:$0x0] =	wrdreg $0xFFFFFFFF;
	(pc) =	sbr.abs _section_cstart, $3  }
0x38: {  	[dreg:$0x1] =	wrdreg $0xFFFFFFFF  }
0x39: {  	_ =	task.clear_ibuf [dreg:s7], $0x2FFFF;
	_ =	strace $0x9FFFFFFF  }
0x3a: {  	(tm) =	ssettm $0x7FFFFFFF  }
0x3b: {  	_ =	shalt  }
tec
execute0_lowered:
.L_overlay_start_1:
0x0: {  	(tag) =	ssettag $0x1  }
0x1: {  	s0 =	srdreg.scid  }
0x2: {  	s1 =	sshll.u32 s0, $0x4  }
0x3: {  	s4 =	rddreg [dreg:$0x0];
	s0 =	stileid.u32;
	s1 =	sand.u32 $0x10, s1  }
0x4: {  	s2 =	rddreg [dreg:$0x1];
	s7 =	simm.s32 $0x1;
	s1 =	sor.u32 s0, s1  }
0x5: {  	s8 =	simm.s32 $0x2;
	s11 =	simm.s32 $0x0;
	s3 =	sshll.u32 s1, $0x7  }
0x6: {  	s10 =	simm.s32 $0x0;
	s4 =	sadd.s32 $0xA00, s4;
	s6 =	ssub.s32 $0x32000, s3  }
.Ltmp0:
0x7: {  	s1 =	rddreg [dreg:$0x2];
	s5 =	sand.u32 $0xF80, s6;
	(pc) =	sbr.rel .LBB1_1-.Ltmp0, $4  }
0x8: {  	_ =	strace $0x8000004A;
	s9 =	smov.u32 s3;
	p0 =	sne.s32 s5, $0x0  }
0x9: {  	s6 =	sshrl.u32 s6, $0xC;
	s5 =	simm.s32 $0x1;
	s7 =	simm.s32 @!p0 $0x0  }
0xa: {  	[sflag:s5] =	ssyncpa.u1 $0x0;
	p0 =	por $0x0, $0x0;
	s6 =	sadd.s32 s7, s6  }
0xb: {  	[sflag:s8] =	ssyncpa.u1 $0x0;
	s8 =	simm.s32 $0x190000;
	s7 =	sadd.s32 $0x1, s6  }
.LBB1_4:
0xc: {  	s14 =	sshll.u32 s11, $0x3  }
0xd: {  	s30 =	sand.u32 $0x7F, s11;
	s15 =	sand.u32 $0xFFFFFC00, s14  }
0xe: {  	s11 =	sor.u32 s30, s15  }
0xf: {  	s15 =	smulhi.u32 $0x51EB851F, s11  }
0x10: {  	s14 =	smulhi.u32 $0x51EB851F, s14  }
0x11: {  	s15 =	sshrl.u32 s15, $0x10  }
0x12: {  	s14 =	sshrl.u32 s14, $0x10;
	s15 =	smul.u32 $0x32000, s15  }
0x13: {  	s14 =	sand.u32 $0x3F, s14  }
0x14: {  	s14 =	smul.u32 $0x6400, s14;
	s11 =	ssub.s32 s11, s15  }
0x15: {  	[tilespmem:s13+$0x810 ss:$0x81] =	vst.msk $0xffff, v2;
	s15 =	sand.u32 $0x7, s11  }
0x16: {  	[tilespmem:s13+$0x1020 ss:$0x81] =	vst.msk $0xffff, v0;
	s14 =	sadd.s32 s2, s14;
	s11 =	sshrl.u32 s11, $0x3;
	s15 =	sshll.u32 s15, $0x12  }
0x17: {  	[tilespmem:s13+$0x0 ss:$0x81] =	vst.msk $0xffff, v1;
	s11 =	sadd.s32 s11, s14;
	s31 =	sor.u32 $0x400, s15  }
0x18: {  	[hbm4b:s11+s31] =	stream.strided.scatter [tilespmem:s12], [sflag:$0x2], $0x2000, s8, s31, $0x20;
	[tilespmem:$0x8080] =	vst v63  }
.LBB1_5:
0x19: {  	s13 =	sadd.s32 $0x1000, s9  }
0x1a: {  	p2 =	sgt.s32 s13, $0x31FFF  }
0x1b: {  	s13 =	smov.u32 @p2 s3;
	p2 =	sne.s32 s10, s7  }
.Ltmp1:
0x1c: {  	p1 =	slt.u32 s10, $0x2;
	(pc) =	sbr.rel @!p2 .LBB1_6-.Ltmp1, $4  }
0x1d: {  	s12 =	simm.s32 @!p1 $0x2  }
0x1e: {  	s14 =	sadd.s32 $0x1, s10;
	_ =	swait.ge @!p1 [sflag:s12], $0x2000  }
0x1f: {  	s11 =	smov.u32 s9;
	p0 =	por !p0, !p0;
	[sflag:s12] =	ssyncset.done @!p1 $0x0  }
0x20: {  	s10 =	smov.u32 s14;
	s9 =	smov.u32 s13;
	[sflag:s12] =	ssyncadd.s32 @!p1 $0xFFFFE000  }
.LBB1_1:
0x21: {  	p1 =	sge.u32 s10, s6  }
0x22: {  	s12 =	sand.u32 @!p1 $0x1FFFFFF, s9  }
0x23: {  	s13 =	smulhi.u32 @!p1 $0x147AE15, s12;
	_ =	sdelay $0x1  }
0x24: {  	s13 =	sshrl.u32 @!p1 s13, $0xA  }
0x25: {  	s13 =	smul.u32 @!p1 $0x32000, s13;
	_ =	sdelay $0x1  }
0x26: {  	s31 =	sadd.s32 $0xFFFFFFFF, s10;
	s14 =	sxor.u32 @!p1 $0xFFFFFFFF, s10;
	s12 =	ssub.s32 @!p1 s12, s13  }
0x27: {  	s15 =	simm.s32 @!p1 $0x80;
	s14 =	sshll.u32 @!p1 s14, $0xD;
	s12 =	sshll.u32 @!p1 s12, $0x4  }
0x28: {  	s13 =	sand.u32 @!p1 $0x2000, s14;
	s14 =	simm.s32 @!p1 $0x40;
	s12 =	sadd.s32 @!p1 s4, s12  }
0x29: {  	[tilespmem:s13], [sflag:$0x1] =	stream.strided.gather @!p1 [hbm4b:s12+s14], $0x2000, s15, s14, $0x38;
	[tilespmem:$0x8080] =	vst v63  }
0x2a: {  	p1 =	sge.u32 s31, s6  }
.Ltmp2:
0x2b: {  	_ = 	snop;
	(pc) =	sbr.rel @p1 .LBB1_5-.Ltmp2, $1  }
0x2c: {  	_ =	sdelay $0x3  }
0x2d: {  	s12 =	simm.s32 $0x1  }
0x2e: {  	_ =	swait.ge [sflag:s5], $0x2000;
	s12 =	simm.s32 @!p0 $0x0  }
0x2f: {  	[sflag:s5] =	ssyncset.done $0x0;
	s13 =	sshll.u32 s12, $0xD  }
0x30: {  	[sflag:s5] =	ssyncadd.s32 $0xFFFFE000;
	s16 =	sor.u32 $0x20, s13  }
0x31: {  	s12 =	smul.u32 $0x8100, s12;
	v3 =	vld [tilespmem:s16+$0x10]  }
0x32: {  	s30 =	sand.u32 $0x1, s10;
	v2 =	vld [tilespmem:s16+$0xFFFFFFF0]  }
0x33: {  	s13 =	smul.u32 $0x8100, s30;
	s12 =	sshrl.u32 s12, $0x2;
	v0 =	vld [tilespmem:s16+$0x0]  }
0x34: {  	v1 =	vld [tilespmem:s16+$0xFFFFFFE0];
	s14 =	sor.u32 $0x4000, s12  }
0x35: {  	s31 =	sshrl.u32 s13, $0x2;
	s13 =	sadd.s32 $0x0, s14  }
0x36: {  	s15 =	simm.s32 $0x4;
	s16 =	sadd.s32 $0x40, s16;
	s12 =	sor.u32 $0x4000, s31;
	[tilespmem:s13+$0x1830 ss:$0x81] =	vst.msk $0xffff, v3  }
.LBB1_3:
0x37: {  	v3 =	vld [tilespmem:s16+$0x10];
	p1 =	sne.s32 s15, $0x1FC;
	[tilespmem:s13+$0x810 ss:$0x81] =	vst.msk $0xffff, v2;
	s17 =	smov.u32 s15;
	s15 =	sadd.s32 $0x4, s15  }
.Ltmp3:
0x38: {  	v2 =	vld [tilespmem:s16+$0xFFFFFFF0];
	[tilespmem:s13+$0x1020 ss:$0x81] =	vst.msk $0xffff, v0;
	(pc) =	sbr.rel @p1 .LBB1_3-.Ltmp3, $4  }
0x39: {  	v0 =	vld [tilespmem:s16+$0x0];
	[tilespmem:s13+$0x0 ss:$0x81] =	vst.msk $0xffff, v1  }
0x3a: {  	s13 =	sshra.s32 s17, $0x2;
	v1 =	vld [tilespmem:s16+$0xFFFFFFE0]  }
0x3b: {  	s13 =	sadd.s32 s13, s14  }
0x3c: {  	s16 =	sadd.s32 $0x40, s16;
	[tilespmem:s13+$0x1830 ss:$0x81] =	vst.msk $0xffff, v3  }
.Ltmp4:
0x3d: {  	_ = 	snop;
	(pc) =	sbr.rel .LBB1_4-.Ltmp4, $1  }
0x3e: {  	_ =	sdelay $0x3  }
.LBB1_6:
0x3f: {  	_ =	sfence.sel $0x180000  }
0x40: {  	s2 =	simm.s32 $0x1;
	[bflag:$0x0] =	sbarrier.arrive $0xFFFF  }
0x41: {  	s31 =	simm.s32 $0x2;
	[sflag:s2] =	ssyncpa.u1 $0x1  }
0x42: {  	[sflag:s31] =	ssyncpa.u1 $0x1  }
0x43: {  	p0 =	sne.s32 s0, $0x0;
	_ =	strace $0x9000004A  }
0x44: {  	s0 =	sadd.s32 @!p0 $0x100000, s1;
	[bflag:$0x2] =	sbarrier.arrive $0xFFFF  }
0x45: {  	[sflag:s0] =	ssyncadd.tile.s32 @!p0 $0x1;
	_ =	shalt  }
.Lfunc_end1:
_tile_overlayer_lowered:
.L_overlay_start_2:
0x46: {  	(tag) =	ssettag $0x2  }
0x47: {  	s0 =	rddreg [dreg:$0x0];
	s2 =	stileid.u32  }
0x48: {  	s1 =	rddreg [dreg:$0x1];
	p0 =	sne.s32 s2, $0x0  }
0x49: {  	s3 =	rddreg [dreg:$0x2];
	[bflag:$0x3] =	sbarrier.arrive $0xFFFF;
	s2 =	simm.s32 @!p0 $0x1C01  }
0x4a: {  	[timem:s3], [sflag:s2] =	dma.local @!p0 [hbm:s0], s1  }
0x4b: {  	s0 =	simm.s32 @!p0 $0x1  }
0x4c: {  	_ =	swait.ge @!p0 [sflag:s0], s1  }
0x4d: {  	s1 =	ssub.s32 @!p0 $0x0, s1;
	[sflag:s0] =	ssyncset.done @!p0 $0x0  }
0x4e: {  	[sflag:s0] =	ssyncadd.s32 @!p0 s1  }
0x4f: {  	[bflag:$0x3] =	sbarrier.arrive $0xFFFF  }
0x50: {  	_ =	shalt  }

</sc_bundles>
